<compile_context>
chip_gen: v7x
topology: tpu7x:2x2x1
jax: 0.10.2.dev20260603
libtpu: 0.0.44.dev20260713+nightly
codegen_flags: <defaults>
</compile_context>

<pallas_src>
import functools

import jax
import jax.numpy as jnp
from jax import lax
from jax.experimental import pallas as pl
from jax.experimental.pallas import tpu as pltpu
from jax.experimental.pallas import tpu_sc as plsc

G = 32
N = 2048
E = 16384
D = 128
PE = 128
NC, NS = 2, 16
LANES = 16


def _sc_edge_weights(edges):
    mesh = plsc.VectorSubcoreMesh(core_axis_name="c", subcore_axis_name="s")

    @functools.partial(
        pl.kernel,
        out_type=jax.ShapeDtypeStruct((G, N), jnp.float32),
        mesh=mesh,
        compiler_params=pltpu.CompilerParams(needs_layout_passes=False),
        scratch_types=[
            pltpu.VMEM((2, E), jnp.int32),
            pltpu.VMEM((LANES * N,), jnp.float32),
            pltpu.VMEM((LANES * N,), jnp.float32),
            pltpu.VMEM((N,), jnp.float32),
            pltpu.VMEM((N,), jnp.float32),
            pltpu.VMEM((N,), jnp.float32),
            pltpu.SemaphoreType.DMA,
        ],
    )
    def k(edges_hbm, w_hbm, edges_v, hist_v, hist2_v, dinv_v, cnt_v, w_v, sem):
        g = lax.axis_index("s") * NC + lax.axis_index("c")
        cp = pltpu.async_copy(edges_hbm.at[g], edges_v, sem)
        lane_off = lax.iota(jnp.int32, 16) * N
        zeros16 = jnp.zeros((16,), jnp.float32)
        ones16 = jnp.ones((16,), jnp.float32)

        def zero_body(j, carry):
            for l in range(LANES):
                hist_v[pl.ds(l * N + j * 16, 16)] = zeros16
                hist2_v[pl.ds(l * N + j * 16, 16)] = zeros16
            return carry

        lax.fori_loop(0, N // 16, zero_body, 0)
        cp.wait()

        def hist_body(i, carry):
            for u in range(32):
                c = edges_v[1, pl.ds(i * 512 + u * 16, 16)]
                plsc.addupdate_scatter(hist_v if u % 2 == 0 else hist2_v,
                                       [lane_off + c], ones16)
            return carry

        lax.fori_loop(0, E // 512, hist_body, 0)

        def _lane_reduce(j):
            vals = [hist_v[pl.ds(l * N + j * 16, 16)] for l in range(LANES)]
            vals += [hist2_v[pl.ds(l * N + j * 16, 16)] for l in range(LANES)]
            while len(vals) > 1:
                vals = [vals[i] + vals[i + 1] for i in range(0, len(vals), 2)]
            return vals[0]

        def dinv_body(j, carry):
            acc = _lane_reduce(j)
            cnt_v[pl.ds(j * 16, 16)] = acc
            deg = acc + 1.0
            bits = plsc.bitcast(deg, jnp.int32)
            y = plsc.bitcast(jnp.int32(0x5F3759DF) - lax.shift_right_logical(bits, 1),
                             jnp.float32)
            y = y * (1.5 - 0.5 * deg * y * y)
            y = y * (1.5 - 0.5 * deg * y * y)
            dinv_v[pl.ds(j * 16, 16)] = y
            return carry

        lax.fori_loop(0, N // 16, dinv_body, 0)

        def s_body(i, carry):
            for u in range(32):
                sl = pl.ds(i * 512 + u * 16, 16)
                r = edges_v[0, sl]
                c = edges_v[1, sl]
                dc = plsc.load_gather(dinv_v, [c])
                plsc.addupdate_scatter(hist_v if u % 2 == 0 else hist2_v,
                                       [lane_off + r], dc)
            return carry

        lax.fori_loop(0, E // 512, s_body, 0)

        def w_body(j, carry):
            s = _lane_reduce(j) - cnt_v[pl.ds(j * 16, 16)]
            dv = dinv_v[pl.ds(j * 16, 16)]
            w_v[pl.ds(j * 16, 16)] = dv * (s + dv)
            return carry

        lax.fori_loop(0, N // 16, w_body, 0)

        pltpu.sync_copy(w_v, w_hbm.at[g])

    return k(edges)


def _tc_head(w, features, pos_edges, W1, b1, Wc1, bc1, Wmu, bmu, Wclf, bclf):
    D1 = W1.shape[1]
    H = Wmu.shape[1]
    L = Wclf.shape[1]

    B = 8

    def body(w_ref, x_ref, pe_ref, W1_ref, b1_ref, Wc1_ref, bc1_ref,
             Wmu_ref, bmu_ref, Wclf_ref, bclf_ref, out_ref, v_acc):
        g = pl.program_id(0)

        @pl.when(g == 0)
        def _():
            v_acc[...] = jnp.zeros((G, D1), jnp.float32)

        wv = w_ref[...]
        rows = lax.broadcasted_iota(jnp.int32, (G, N), 0)
        acc = jnp.zeros((G, D1), jnp.float32)
        for b in range(B):
            gg = g * B + b
            P = jnp.where(rows == gg, wv, 0.0)
            acc = acc + jnp.dot(P, x_ref[b], preferred_element_type=jnp.float32)
        v_acc[...] += acc

        @pl.when(g == G // B - 1)
        def _():
            emb = (jnp.dot(v_acc[...], W1_ref[...],
                           preferred_element_type=jnp.float32)
                   + N * b1_ref[...]) * (1.0 / 16.0)
            pe = pe_ref[...]
            gids = lax.broadcasted_iota(jnp.int32, (PE, G), 1)
            oh_r = (pe[0][:, None] == gids).astype(jnp.float32)
            oh_c = (pe[1][:, None] == gids).astype(jnp.float32)
            A = lax.dot_general(oh_c, oh_r, (((0,), (0,)), ((), ())),
                                preferred_element_type=jnp.float32)
            eye = (lax.broadcasted_iota(jnp.int32, (G, G), 0)
                   == lax.broadcasted_iota(jnp.int32, (G, G), 1)
                   ).astype(jnp.float32)
            A1 = A + eye
            deg = jnp.sum(A1, axis=1)
            dinv = lax.rsqrt(deg)
            Ahat = dinv[:, None] * A1 * dinv[None, :]

            def mm(a, b):
                return jnp.dot(a, b, preferred_element_type=jnp.float32)

            h1 = jnp.maximum(mm(Ahat, mm(emb, Wc1_ref[...])) + bc1_ref[...], 0.0)
            mu = mm(Ahat, mm(h1, Wmu_ref[...])) + bmu_ref[...]
            logits = mm(mu, Wclf_ref[...]) + bclf_ref[...]
            m = jnp.max(logits, axis=1, keepdims=True)
            lse = m + jnp.log(jnp.sum(jnp.exp(logits - m), axis=1, keepdims=True))
            out_ref[...] = logits - lse

    full = lambda shape: pl.BlockSpec(shape, lambda g: tuple(0 for _ in shape))
    return pl.pallas_call(
        body,
        grid=(G // B,),
        in_specs=[
            full((G, N)),
            pl.BlockSpec((B, N, D), lambda g: (g, 0, 0)),
            full((2, PE)),
            full((D, D1)),
            full((D1,)),
            full((D1, Wc1.shape[1])),
            full((Wc1.shape[1],)),
            full((2 * H, H)),
            full((H,)),
            full((H, L)),
            full((L,)),
        ],
        out_specs=full((G, L)),
        out_shape=jax.ShapeDtypeStruct((G, L), jnp.float32),
        scratch_shapes=[pltpu.VMEM((G, D1), jnp.float32)],
    )(w, features, pos_edges, W1, b1, Wc1, bc1, Wmu, bmu, Wclf, bclf)


def kernel(features, edges, pos_edges, W1, b1, Wf1, bf1, Wf2, bf2,
           Wc1, bc1, Wmu, bmu, Wls, bls, Wclf, bclf):
    w = _sc_edge_weights(edges)
    return _tc_head(w, features, pos_edges, W1, b1, Wc1, bc1, Wmu, bmu,
                    Wclf, bclf)

# --- scband reference (transcript-rebuilt; emitter-appended) ---
"""Pipeline reference for scband-dvgga-67551245631659 (READ-ONLY COPY).

The authoritative reference and input builder live on the scoring server;
editing this copy changes nothing except your own understanding.
"""

import jax, jax.numpy as jnp
import numpy as np


def _gcn(x, row, col, W, b):
    # PyG GCNConv with unit edge weights: add self-loops, symmetric deg^-1/2 norm,
    # scatter-add aggregation of transformed source features into dst nodes.
    n = x.shape[0]
    sl = jnp.arange(n, dtype=row.dtype)
    r = jnp.concatenate([row, sl])
    c = jnp.concatenate([col, sl])
    ew = jnp.ones(r.shape[0], dtype=x.dtype)
    deg = jnp.zeros((n,), dtype=x.dtype).at[c].add(ew)
    dinv = jnp.where(deg > 0, deg ** -0.5, 0.0)
    norm = dinv[r] * ew * dinv[c]
    xw = x @ W
    out = jnp.zeros((n, W.shape[1]), dtype=x.dtype).at[c].add(norm[:, None] * xw[r])
    return out + b


def setup_inputs(seed: int = 0) -> dict:
    key = jax.random.key(seed)
    ks = jax.random.split(key, 20)
    G, N, E, D = 32, 2048, 16384, 128
    D1 = 128   # first_gcn_dimensions == first_dense_neurons
    S = 16     # second_dense_neurons
    H = 64     # second_gcn_dimensions
    L = 32     # num_labels
    inp = {}
    inp['features'] = jax.random.normal(ks[0], (G, N, D), dtype=jnp.float32)
    inp['edges'] = jax.random.randint(ks[1], (G, 2, E), 0, N, dtype=jnp.int32)
    inp['pos_edges'] = jax.random.randint(ks[2], (2, 128), 0, G, dtype=jnp.int32)
    s = 0.05
    # SAGE graph-level model params
    inp['W1'] = jax.random.normal(ks[3], (D, D1), dtype=jnp.float32) * s
    inp['b1'] = jnp.zeros((D1,), dtype=jnp.float32)
    inp['Wf1'] = jax.random.normal(ks[4], (D1, D1), dtype=jnp.float32) * s
    inp['bf1'] = jnp.zeros((D1,), dtype=jnp.float32)
    inp['Wf2'] = jax.random.normal(ks[5], (D1, S), dtype=jnp.float32) * s
    inp['bf2'] = jnp.zeros((S,), dtype=jnp.float32)
    # VariationalGCNEncoder params (in=first_dense_neurons=128, out=second_gcn_dimensions=64)
    inp['Wc1'] = jax.random.normal(ks[6], (D1, 2 * H), dtype=jnp.float32) * s
    inp['bc1'] = jnp.zeros((2 * H,), dtype=jnp.float32)
    inp['Wmu'] = jax.random.normal(ks[7], (2 * H, H), dtype=jnp.float32) * s
    inp['bmu'] = jnp.zeros((H,), dtype=jnp.float32)
    inp['Wls'] = jax.random.normal(ks[8], (2 * H, H), dtype=jnp.float32) * s
    inp['bls'] = jnp.zeros((H,), dtype=jnp.float32)
    # node classifier
    inp['Wclf'] = jax.random.normal(ks[9], (H, L), dtype=jnp.float32) * s
    inp['bclf'] = jnp.zeros((L,), dtype=jnp.float32)
    return inp


def reference(features, edges, pos_edges, W1, b1, Wf1, bf1, Wf2, bf2, Wc1, bc1, Wmu, bmu, Wls, bls, Wclf, bclf):
    def sage(x, ei):
        h = _gcn(x, ei[0], ei[1], W1, b1)                      # [N, 128]
        a1 = jnp.tanh(h @ Wf1 + bf1)                            # [N, 128]
        assign = jax.nn.softmax(a1 @ Wf2 + bf2, axis=1)         # [N, 16]
        ge = assign.T @ h                                       # [16, 128]
        return jnp.mean(ge, axis=0)                             # [128]
    emb = jax.vmap(sage)(features, edges)                       # [G, 128]
    # dropout p=0.0 (and eval mode) -> identity
    h1 = jax.nn.relu(_gcn(emb, pos_edges[0], pos_edges[1], Wc1, bc1))   # [G, 128]
    mu = _gcn(h1, pos_edges[0], pos_edges[1], Wmu, bmu)                 # [G, 64]
    logstd = _gcn(h1, pos_edges[0], pos_edges[1], Wls, bls)             # computed by encoder, unused for preds (eval reparametrize -> z = mu)
    z = mu
    preds = jax.nn.log_softmax(z @ Wclf + bclf, axis=1)                 # [G, num_labels]
    return preds

if __name__ == "__main__":
    import jax
    _d = setup_inputs()
    print(jax.jit(kernel)(*tuple(_d.values())))

</pallas_src>

<mosaic_0001>
#map = affine_map<(d0, d1) -> (0, 0, 0)>
#map1 = affine_map<(d0, d1) -> (0, 0)>
module attributes {stable_mosaic.version = 14 : i64} {
  func.func @k(%arg0: i32, %arg1: i32, %arg2: memref<32x2x16384xi32, #tpu.memory_space<hbm>>, %arg3: memref<32x2048xf32, #tpu.memory_space<hbm>>, %arg4: memref<2x16384xi32, #tpu.memory_space<vmem>>, %arg5: memref<32768xf32, #tpu.memory_space<vmem>>, %arg6: memref<32768xf32, #tpu.memory_space<vmem>>, %arg7: memref<2048xf32, #tpu.memory_space<vmem>>, %arg8: memref<2048xf32, #tpu.memory_space<vmem>>, %arg9: memref<2048xf32, #tpu.memory_space<vmem>>, %arg10: memref<!tpu.dma_semaphore, #tpu.memory_space<semaphore_mem>>) attributes {dimension_semantics = [#tpu.dimension_semantics<core_parallel>, #tpu.dimension_semantics<subcore_parallel>], iteration_bounds = array<i64: 2, 16>, scalar_prefetch = 0 : i64, scratch_operands = 7 : i64, tpu.core_type = #tpu.core_type<sc_vector_subcore>, window_params = [{transform_indices = #map}, {transform_indices = #map1}]} {
    %mul3A = arith.constant 2 : i32
    %mul3A_0 = arith.muli %arg1, %mul3A : i32
    %add3A = arith.addi %mul3A_0, %arg0 : i32
    %dma_start3A = arith.constant 0 : i32
    %dma_start3A_1 = arith.constant 0 : i32
    %dma_start3A_2 = tpu.memref_slice %arg2[%add3A, %dma_start3A, %dma_start3A_1] : memref<32x2x16384xi32, #tpu.memory_space<hbm>> -> memref<1x2x16384xi32, #tpu.memory_space<hbm>>
    %dma_start3A_3 = tpu.memref_squeeze %dma_start3A_2 : memref<1x2x16384xi32, #tpu.memory_space<hbm>> -> memref<2x16384xi32, #tpu.memory_space<hbm>>
    %dma_start3A_4 = arith.constant 0 : i32
    %dma_start3A_5 = arith.constant 0 : i32
    %dma_start3A_6 = tpu.memref_slice %arg2[%add3A, %dma_start3A_4, %dma_start3A_5] : memref<32x2x16384xi32, #tpu.memory_space<hbm>> -> memref<1x2x16384xi32, #tpu.memory_space<hbm>>
    %dma_start3A_7 = tpu.memref_squeeze %dma_start3A_6 : memref<1x2x16384xi32, #tpu.memory_space<hbm>> -> memref<2x16384xi32, #tpu.memory_space<hbm>>
    tpu.enqueue_dma source(%dma_start3A_7 : memref<2x16384xi32, #tpu.memory_space<hbm>>) target(%arg4 : memref<2x16384xi32, #tpu.memory_space<vmem>>) target_semaphore(%arg10 : memref<!tpu.dma_semaphore, #tpu.memory_space<semaphore_mem>>)
    %iota3A = tpu.iota {dimensions = array<i32: 0>} : vector<16xi32>
    %mul3A_8 = arith.constant 2048 : i32
    %mul3A_9 = vector.broadcast %mul3A_8 : i32 to vector<16xi32>
    %mul3A_10 = arith.muli %iota3A, %mul3A_9 : vector<16xi32>
    %broadcast_in_dim3A = arith.constant 0.000000e+00 : f32
    %broadcast_in_dim3A_11 = vector.broadcast %broadcast_in_dim3A : f32 to vector<16xf32>
    %broadcast_in_dim3A_12 = arith.constant 1.000000e+00 : f32
    %broadcast_in_dim3A_13 = vector.broadcast %broadcast_in_dim3A_12 : f32 to vector<16xf32>
    %scan3A = arith.constant 0 : i32
    %scan3A_14 = arith.constant 0 : i32
    %scan3A_15 = arith.constant 128 : i32
    %scan3A_16 = arith.addi %scan3A_14, %scan3A_15 : i32
    %scan3A_17 = arith.constant 1 : i32
    scf.for %scan3A_50 = %scan3A_14 to %scan3A_16 step %scan3A_17  : i32 {
      %mul3A_51 = arith.constant 16 : i32
      %mul3A_52 = arith.muli %scan3A_50, %mul3A_51 : i32
      %add3A_53 = arith.constant 0 : i32
      %add3A_54 = arith.addi %add3A_53, %mul3A_52 : i32
      %swap3A = arith.index_cast %add3A_54 : i32 to index
      %swap3A_55 = tpu.vector_load %arg5[%swap3A] {strides = array<i32>} : memref<32768xf32, #tpu.memory_space<vmem>>, vector<16xf32>,
      tpu.vector_store %arg5[%swap3A], %broadcast_in_dim3A_11 {strides = array<i32>} : memref<32768xf32, #tpu.memory_space<vmem>>, vector<16xf32>,
      %mul3A_56 = arith.constant 16 : i32
      %mul3A_57 = arith.muli %scan3A_50, %mul3A_56 : i32
      %add3A_58 = arith.constant 0 : i32
      %add3A_59 = arith.addi %add3A_58, %mul3A_57 : i32
      %swap3A_60 = arith.index_cast %add3A_59 : i32 to index
      %swap3A_61 = tpu.vector_load %arg6[%swap3A_60] {strides = array<i32>} : memref<32768xf32, #tpu.memory_space<vmem>>, vector<16xf32>,
      tpu.vector_store %arg6[%swap3A_60], %broadcast_in_dim3A_11 {strides = array<i32>} : memref<32768xf32, #tpu.memory_space<vmem>>, vector<16xf32>,
      %mul3A_62 = arith.constant 16 : i32
      %mul3A_63 = arith.muli %scan3A_50, %mul3A_62 : i32
      %add3A_64 = arith.constant 2048 : i32
      %add3A_65 = arith.addi %add3A_64, %mul3A_63 : i32
      %swap3A_66 = arith.index_cast %add3A_65 : i32 to index
      %swap3A_67 = tpu.vector_load %arg5[%swap3A_66] {strides = array<i32>} : memref<32768xf32, #tpu.memory_space<vmem>>, vector<16xf32>,
      tpu.vector_store %arg5[%swap3A_66], %broadcast_in_dim3A_11 {strides = array<i32>} : memref<32768xf32, #tpu.memory_space<vmem>>, vector<16xf32>,
      %mul3A_68 = arith.constant 16 : i32
      %mul3A_69 = arith.muli %scan3A_50, %mul3A_68 : i32
      %add3A_70 = arith.constant 2048 : i32
      %add3A_71 = arith.addi %add3A_70, %mul3A_69 : i32
      %swap3A_72 = arith.index_cast %add3A_71 : i32 to index
      %swap3A_73 = tpu.vector_load %arg6[%swap3A_72] {strides = array<i32>} : memref<32768xf32, #tpu.memory_space<vmem>>, vector<16xf32>,
      tpu.vector_store %arg6[%swap3A_72], %broadcast_in_dim3A_11 {strides = array<i32>} : memref<32768xf32, #tpu.memory_space<vmem>>, vector<16xf32>,
      %mul3A_74 = arith.constant 16 : i32
      %mul3A_75 = arith.muli %scan3A_50, %mul3A_74 : i32
      %add3A_76 = arith.constant 4096 : i32
      %add3A_77 = arith.addi %add3A_76, %mul3A_75 : i32
      %swap3A_78 = arith.index_cast %add3A_77 : i32 to index
      %swap3A_79 = tpu.vector_load %arg5[%swap3A_78] {strides = array<i32>} : memref<32768xf32, #tpu.memory_space<vmem>>, vector<16xf32>,
      tpu.vector_store %arg5[%swap3A_78], %broadcast_in_dim3A_11 {strides = array<i32>} : memref<32768xf32, #tpu.memory_space<vmem>>, vector<16xf32>,
      %mul3A_80 = arith.constant 16 : i32
      %mul3A_81 = arith.muli %scan3A_50, %mul3A_80 : i32
      %add3A_82 = arith.constant 4096 : i32
      %add3A_83 = arith.addi %add3A_82, %mul3A_81 : i32
      %swap3A_84 = arith.index_cast %add3A_83 : i32 to index
      %swap3A_85 = tpu.vector_load %arg6[%swap3A_84] {strides = array<i32>} : memref<32768xf32, #tpu.memory_space<vmem>>, vector<16xf32>,
      tpu.vector_store %arg6[%swap3A_84], %broadcast_in_dim3A_11 {strides = array<i32>} : memref<32768xf32, #tpu.memory_space<vmem>>, vector<16xf32>,
      %mul3A_86 = arith.constant 16 : i32
      %mul3A_87 = arith.muli %scan3A_50, %mul3A_86 : i32
      %add3A_88 = arith.constant 6144 : i32
      %add3A_89 = arith.addi %add3A_88, %mul3A_87 : i32
      %swap3A_90 = arith.index_cast %add3A_89 : i32 to index
      %swap3A_91 = tpu.vector_load %arg5[%swap3A_90] {strides = array<i32>} : memref<32768xf32, #tpu.memory_space<vmem>>, vector<16xf32>,
      tpu.vector_store %arg5[%swap3A_90], %broadcast_in_dim3A_11 {strides = array<i32>} : memref<32768xf32, #tpu.memory_space<vmem>>, vector<16xf32>,
      %mul3A_92 = arith.constant 16 : i32
      %mul3A_93 = arith.muli %scan3A_50, %mul3A_92 : i32
      %add3A_94 = arith.constant 6144 : i32
      %add3A_95 = arith.addi %add3A_94, %mul3A_93 : i32
      %swap3A_96 = arith.index_cast %add3A_95 : i32 to index
      %swap3A_97 = tpu.vector_load %arg6[%swap3A_96] {strides = array<i32>} : memref<32768xf32, #tpu.memory_space<vmem>>, vector<16xf32>,
      tpu.vector_store %arg6[%swap3A_96], %broadcast_in_dim3A_11 {strides = array<i32>} : memref<32768xf32, #tpu.memory_space<vmem>>, vector<16xf32>,
      %mul3A_98 = arith.constant 16 : i32
      %mul3A_99 = arith.muli %scan3A_50, %mul3A_98 : i32
      %add3A_100 = arith.constant 8192 : i32
      %add3A_101 = arith.addi %add3A_100, %mul3A_99 : i32
      %swap3A_102 = arith.index_cast %add3A_101 : i32 to index
      %swap3A_103 = tpu.vector_load %arg5[%swap3A_102] {strides = array<i32>} : memref<32768xf32, #tpu.memory_space<vmem>>, vector<16xf32>,
      tpu.vector_store %arg5[%swap3A_102], %broadcast_in_dim3A_11 {strides = array<i32>} : memref<32768xf32, #tpu.memory_space<vmem>>, vector<16xf32>,
      %mul3A_104 = arith.constant 16 : i32
      %mul3A_105 = arith.muli %scan3A_50, %mul3A_104 : i32
      %add3A_106 = arith.constant 8192 : i32
      %add3A_107 = arith.addi %add3A_106, %mul3A_105 : i32
      %swap3A_108 = arith.index_cast %add3A_107 : i32 to index
      %swap3A_109 = tpu.vector_load %arg6[%swap3A_108] {strides = array<i32>} : memref<32768xf32, #tpu.memory_space<vmem>>, vector<16xf32>,
      tpu.vector_store %arg6[%swap3A_108], %broadcast_in_dim3A_11 {strides = array<i32>} : memref<32768xf32, #tpu.memory_space<vmem>>, vector<16xf32>,
      %mul3A_110 = arith.constant 16 : i32
      %mul3A_111 = arith.muli %scan3A_50, %mul3A_110 : i32
      %add3A_112 = arith.constant 10240 : i32
      %add3A_113 = arith.addi %add3A_112, %mul3A_111 : i32
      %swap3A_114 = arith.index_cast %add3A_113 : i32 to index
      %swap3A_115 = tpu.vector_load %arg5[%swap3A_114] {strides = array<i32>} : memref<32768xf32, #tpu.memory_space<vmem>>, vector<16xf32>,
      tpu.vector_store %arg5[%swap3A_114], %broadcast_in_dim3A_11 {strides = array<i32>} : memref<32768xf32, #tpu.memory_space<vmem>>, vector<16xf32>,
      %mul3A_116 = arith.constant 16 : i32
      %mul3A_117 = arith.muli %scan3A_50, %mul3A_116 : i32
      %add3A_118 = arith.constant 10240 : i32
      %add3A_119 = arith.addi %add3A_118, %mul3A_117 : i32
      %swap3A_120 = arith.index_cast %add3A_119 : i32 to index
      %swap3A_121 = tpu.vector_load %arg6[%swap3A_120] {strides = array<i32>} : memref<32768xf32, #tpu.memory_space<vmem>>, vector<16xf32>,
      tpu.vector_store %arg6[%swap3A_120], %broadcast_in_dim3A_11 {strides = array<i32>} : memref<32768xf32, #tpu.memory_space<vmem>>, vector<16xf32>,
      %mul3A_122 = arith.constant 16 : i32
      %mul3A_123 = arith.muli %scan3A_50, %mul3A_122 : i32
      %add3A_124 = arith.constant 12288 : i32
      %add3A_125 = arith.addi %add3A_124, %mul3A_123 : i32
      %swap3A_126 = arith.index_cast %add3A_125 : i32 to index
      %swap3A_127 = tpu.vector_load %arg5[%swap3A_126] {strides = array<i32>} : memref<32768xf32, #tpu.memory_space<vmem>>, vector<16xf32>,
      tpu.vector_store %arg5[%swap3A_126], %broadcast_in_dim3A_11 {strides = array<i32>} : memref<32768xf32, #tpu.memory_space<vmem>>, vector<16xf32>,
      %mul3A_128 = arith.constant 16 : i32
      %mul3A_129 = arith.muli %scan3A_50, %mul3A_128 : i32
      %add3A_130 = arith.constant 12288 : i32
      %add3A_131 = arith.addi %add3A_130, %mul3A_129 : i32
      %swap3A_132 = arith.index_cast %add3A_131 : i32 to index
      %swap3A_133 = tpu.vector_load %arg6[%swap3A_132] {strides = array<i32>} : memref<32768xf32, #tpu.memory_space<vmem>>, vector<16xf32>,
      tpu.vector_store %arg6[%swap3A_132], %broadcast_in_dim3A_11 {strides = array<i32>} : memref<32768xf32, #tpu.memory_space<vmem>>, vector<16xf32>,
      %mul3A_134 = arith.constant 16 : i32
      %mul3A_135 = arith.muli %scan3A_50, %mul3A_134 : i32
      %add3A_136 = arith.constant 14336 : i32
      %add3A_137 = arith.addi %add3A_136, %mul3A_135 : i32
      %swap3A_138 = arith.index_cast %add3A_137 : i32 to index
      %swap3A_139 = tpu.vector_load %arg5[%swap3A_138] {strides = array<i32>} : memref<32768xf32, #tpu.memory_space<vmem>>, vector<16xf32>,
      tpu.vector_store %arg5[%swap3A_138], %broadcast_in_dim3A_11 {strides = array<i32>} : memref<32768xf32, #tpu.memory_space<vmem>>, vector<16xf32>,
      %mul3A_140 = arith.constant 16 : i32
      %mul3A_141 = arith.muli %scan3A_50, %mul3A_140 : i32
      %add3A_142 = arith.constant 14336 : i32
      %add3A_143 = arith.addi %add3A_142, %mul3A_141 : i32
      %swap3A_144 = arith.index_cast %add3A_143 : i32 to index
      %swap3A_145 = tpu.vector_load %arg6[%swap3A_144] {strides = array<i32>} : memref<32768xf32, #tpu.memory_space<vmem>>, vector<16xf32>,
      tpu.vector_store %arg6[%swap3A_144], %broadcast_in_dim3A_11 {strides = array<i32>} : memref<32768xf32, #tpu.memory_space<vmem>>, vector<16xf32>,
      %mul3A_146 = arith.constant 16 : i32
      %mul3A_147 = arith.muli %scan3A_50, %mul3A_146 : i32
      %add3A_148 = arith.constant 16384 : i32
      %add3A_149 = arith.addi %add3A_148, %mul3A_147 : i32
      %swap3A_150 = arith.index_cast %add3A_149 : i32 to index
      %swap3A_151 = tpu.vector_load %arg5[%swap3A_150] {strides = array<i32>} : memref<32768xf32, #tpu.memory_space<vmem>>, vector<16xf32>,
      tpu.vector_store %arg5[%swap3A_150], %broadcast_in_dim3A_11 {strides = array<i32>} : memref<32768xf32, #tpu.memory_space<vmem>>, vector<16xf32>,
      %mul3A_152 = arith.constant 16 : i32
      %mul3A_153 = arith.muli %scan3A_50, %mul3A_152 : i32
      %add3A_154 = arith.constant 16384 : i32
      %add3A_155 = arith.addi %add3A_154, %mul3A_153 : i32
      %swap3A_156 = arith.index_cast %add3A_155 : i32 to index
      %swap3A_157 = tpu.vector_load %arg6[%swap3A_156] {strides = array<i32>} : memref<32768xf32, #tpu.memory_space<vmem>>, vector<16xf32>,
      tpu.vector_store %arg6[%swap3A_156], %broadcast_in_dim3A_11 {strides = array<i32>} : memref<32768xf32, #tpu.memory_space<vmem>>, vector<16xf32>,
      %mul3A_158 = arith.constant 16 : i32
      %mul3A_159 = arith.muli %scan3A_50, %mul3A_158 : i32
      %add3A_160 = arith.constant 18432 : i32
      %add3A_161 = arith.addi %add3A_160, %mul3A_159 : i32
      %swap3A_162 = arith.index_cast %add3A_161 : i32 to index
      %swap3A_163 = tpu.vector_load %arg5[%swap3A_162] {strides = array<i32>} : memref<32768xf32, #tpu.memory_space<vmem>>, vector<16xf32>,
      tpu.vector_store %arg5[%swap3A_162], %broadcast_in_dim3A_11 {strides = array<i32>} : memref<32768xf32, #tpu.memory_space<vmem>>, vector<16xf32>,
      %mul3A_164 = arith.constant 16 : i32
      %mul3A_165 = arith.muli %scan3A_50, %mul3A_164 : i32
      %add3A_166 = arith.constant 18432 : i32
      %add3A_167 = arith.addi %add3A_166, %mul3A_165 : i32
      %swap3A_168 = arith.index_cast %add3A_167 : i32 to index
      %swap3A_169 = tpu.vector_load %arg6[%swap3A_168] {strides = array<i32>} : memref<32768xf32, #tpu.memory_space<vmem>>, vector<16xf32>,
      tpu.vector_store %arg6[%swap3A_168], %broadcast_in_dim3A_11 {strides = array<i32>} : memref<32768xf32, #tpu.memory_space<vmem>>, vector<16xf32>,
      %mul3A_170 = arith.constant 16 : i32
      %mul3A_171 = arith.muli %scan3A_50, %mul3A_170 : i32
      %add3A_172 = arith.constant 20480 : i32
      %add3A_173 = arith.addi %add3A_172, %mul3A_171 : i32
      %swap3A_174 = arith.index_cast %add3A_173 : i32 to index
      %swap3A_175 = tpu.vector_load %arg5[%swap3A_174] {strides = array<i32>} : memref<32768xf32, #tpu.memory_space<vmem>>, vector<16xf32>,
      tpu.vector_store %arg5[%swap3A_174], %broadcast_in_dim3A_11 {strides = array<i32>} : memref<32768xf32, #tpu.memory_space<vmem>>, vector<16xf32>,
      %mul3A_176 = arith.constant 16 : i32
      %mul3A_177 = arith.muli %scan3A_50, %mul3A_176 : i32
      %add3A_178 = arith.constant 20480 : i32
      %add3A_179 = arith.addi %add3A_178, %mul3A_177 : i32
      %swap3A_180 = arith.index_cast %add3A_179 : i32 to index
      %swap3A_181 = tpu.vector_load %arg6[%swap3A_180] {strides = array<i32>} : memref<32768xf32, #tpu.memory_space<vmem>>, vector<16xf32>,
      tpu.vector_store %arg6[%swap3A_180], %broadcast_in_dim3A_11 {strides = array<i32>} : memref<32768xf32, #tpu.memory_space<vmem>>, vector<16xf32>,
      %mul3A_182 = arith.constant 16 : i32
      %mul3A_183 = arith.muli %scan3A_50, %mul3A_182 : i32
      %add3A_184 = arith.constant 22528 : i32
      %add3A_185 = arith.addi %add3A_184, %mul3A_183 : i32
      %swap3A_186 = arith.index_cast %add3A_185 : i32 to index
      %swap3A_187 = tpu.vector_load %arg5[%swap3A_186] {strides = array<i32>} : memref<32768xf32, #tpu.memory_space<vmem>>, vector<16xf32>,
      tpu.vector_store %arg5[%swap3A_186], %broadcast_in_dim3A_11 {strides = array<i32>} : memref<32768xf32, #tpu.memory_space<vmem>>, vector<16xf32>,
      %mul3A_188 = arith.constant 16 : i32
      %mul3A_189 = arith.muli %scan3A_50, %mul3A_188 : i32
      %add3A_190 = arith.constant 22528 : i32
      %add3A_191 = arith.addi %add3A_190, %mul3A_189 : i32
      %swap3A_192 = arith.index_cast %add3A_191 : i32 to index
      %swap3A_193 = tpu.vector_load %arg6[%swap3A_192] {strides = array<i32>} : memref<32768xf32, #tpu.memory_space<vmem>>, vector<16xf32>,
      tpu.vector_store %arg6[%swap3A_192], %broadcast_in_dim3A_11 {strides = array<i32>} : memref<32768xf32, #tpu.memory_space<vmem>>, vector<16xf32>,
      %mul3A_194 = arith.constant 16 : i32
      %mul3A_195 = arith.muli %scan3A_50, %mul3A_194 : i32
      %add3A_196 = arith.constant 24576 : i32
      %add3A_197 = arith.addi %add3A_196, %mul3A_195 : i32
      %swap3A_198 = arith.index_cast %add3A_197 : i32 to index
      %swap3A_199 = tpu.vector_load %arg5[%swap3A_198] {strides = array<i32>} : memref<32768xf32, #tpu.memory_space<vmem>>, vector<16xf32>,
      tpu.vector_store %arg5[%swap3A_198], %broadcast_in_dim3A_11 {strides = array<i32>} : memref<32768xf32, #tpu.memory_space<vmem>>, vector<16xf32>,
      %mul3A_200 = arith.constant 16 : i32
      %mul3A_201 = arith.muli %scan3A_50, %mul3A_200 : i32
      %add3A_202 = arith.constant 24576 : i32
      %add3A_203 = arith.addi %add3A_202, %mul3A_201 : i32
      %swap3A_204 = arith.index_cast %add3A_203 : i32 to index
      %swap3A_205 = tpu.vector_load %arg6[%swap3A_204] {strides = array<i32>} : memref<32768xf32, #tpu.memory_space<vmem>>, vector<16xf32>,
      tpu.vector_store %arg6[%swap3A_204], %broadcast_in_dim3A_11 {strides = array<i32>} : memref<32768xf32, #tpu.memory_space<vmem>>, vector<16xf32>,
      %mul3A_206 = arith.constant 16 : i32
      %mul3A_207 = arith.muli %scan3A_50, %mul3A_206 : i32
      %add3A_208 = arith.constant 26624 : i32
      %add3A_209 = arith.addi %add3A_208, %mul3A_207 : i32
      %swap3A_210 = arith.index_cast %add3A_209 : i32 to index
      %swap3A_211 = tpu.vector_load %arg5[%swap3A_210] {strides = array<i32>} : memref<32768xf32, #tpu.memory_space<vmem>>, vector<16xf32>,
      tpu.vector_store %arg5[%swap3A_210], %broadcast_in_dim3A_11 {strides = array<i32>} : memref<32768xf32, #tpu.memory_space<vmem>>, vector<16xf32>,
      %mul3A_212 = arith.constant 16 : i32
      %mul3A_213 = arith.muli %scan3A_50, %mul3A_212 : i32
      %add3A_214 = arith.constant 26624 : i32
      %add3A_215 = arith.addi %add3A_214, %mul3A_213 : i32
      %swap3A_216 = arith.index_cast %add3A_215 : i32 to index
      %swap3A_217 = tpu.vector_load %arg6[%swap3A_216] {strides = array<i32>} : memref<32768xf32, #tpu.memory_space<vmem>>, vector<16xf32>,
      tpu.vector_store %arg6[%swap3A_216], %broadcast_in_dim3A_11 {strides = array<i32>} : memref<32768xf32, #tpu.memory_space<vmem>>, vector<16xf32>,
      %mul3A_218 = arith.constant 16 : i32
      %mul3A_219 = arith.muli %scan3A_50, %mul3A_218 : i32
      %add3A_220 = arith.constant 28672 : i32
      %add3A_221 = arith.addi %add3A_220, %mul3A_219 : i32
      %swap3A_222 = arith.index_cast %add3A_221 : i32 to index
      %swap3A_223 = tpu.vector_load %arg5[%swap3A_222] {strides = array<i32>} : memref<32768xf32, #tpu.memory_space<vmem>>, vector<16xf32>,
      tpu.vector_store %arg5[%swap3A_222], %broadcast_in_dim3A_11 {strides = array<i32>} : memref<32768xf32, #tpu.memory_space<vmem>>, vector<16xf32>,
      %mul3A_224 = arith.constant 16 : i32
      %mul3A_225 = arith.muli %scan3A_50, %mul3A_224 : i32
      %add3A_226 = arith.constant 28672 : i32
      %add3A_227 = arith.addi %add3A_226, %mul3A_225 : i32
      %swap3A_228 = arith.index_cast %add3A_227 : i32 to index
      %swap3A_229 = tpu.vector_load %arg6[%swap3A_228] {strides = array<i32>} : memref<32768xf32, #tpu.memory_space<vmem>>, vector<16xf32>,
      tpu.vector_store %arg6[%swap3A_228], %broadcast_in_dim3A_11 {strides = array<i32>} : memref<32768xf32, #tpu.memory_space<vmem>>, vector<16xf32>,
      %mul3A_230 = arith.constant 16 : i32
      %mul3A_231 = arith.muli %scan3A_50, %mul3A_230 : i32
      %add3A_232 = arith.constant 30720 : i32
      %add3A_233 = arith.addi %add3A_232, %mul3A_231 : i32
      %swap3A_234 = arith.index_cast %add3A_233 : i32 to index
      %swap3A_235 = tpu.vector_load %arg5[%swap3A_234] {strides = array<i32>} : memref<32768xf32, #tpu.memory_space<vmem>>, vector<16xf32>,
      tpu.vector_store %arg5[%swap3A_234], %broadcast_in_dim3A_11 {strides = array<i32>} : memref<32768xf32, #tpu.memory_space<vmem>>, vector<16xf32>,
      %mul3A_236 = arith.constant 16 : i32
      %mul3A_237 = arith.muli %scan3A_50, %mul3A_236 : i32
      %add3A_238 = arith.constant 30720 : i32
      %add3A_239 = arith.addi %add3A_238, %mul3A_237 : i32
      %swap3A_240 = arith.index_cast %add3A_239 : i32 to index
      %swap3A_241 = tpu.vector_load %arg6[%swap3A_240] {strides = array<i32>} : memref<32768xf32, #tpu.memory_space<vmem>>, vector<16xf32>,
      tpu.vector_store %arg6[%swap3A_240], %broadcast_in_dim3A_11 {strides = array<i32>} : memref<32768xf32, #tpu.memory_space<vmem>>, vector<16xf32>,
    }
    %scan3A_18 = arith.constant 128 : i32
    %dma_wait3A = arith.constant 0 : i32
    %dma_wait3A_19 = arith.constant 0 : i32
    %dma_wait3A_20 = tpu.memref_slice %arg2[%add3A, %dma_wait3A, %dma_wait3A_19] : memref<32x2x16384xi32, #tpu.memory_space<hbm>> -> memref<1x2x16384xi32, #tpu.memory_space<hbm>>
    %dma_wait3A_21 = tpu.memref_squeeze %dma_wait3A_20 : memref<1x2x16384xi32, #tpu.memory_space<hbm>> -> memref<2x16384xi32, #tpu.memory_space<hbm>>
    %dma_wait3A_22 = arith.constant 0 : i32
    %dma_wait3A_23 = arith.constant 0 : i32
    %dma_wait3A_24 = tpu.memref_slice %arg2[%add3A, %dma_wait3A_22, %dma_wait3A_23] : memref<32x2x16384xi32, #tpu.memory_space<hbm>> -> memref<1x2x16384xi32, #tpu.memory_space<hbm>>
    %dma_wait3A_25 = tpu.memref_squeeze %dma_wait3A_24 : memref<1x2x16384xi32, #tpu.memory_space<hbm>> -> memref<2x16384xi32, #tpu.memory_space<hbm>>
    tpu.wait_dma2 semaphore(%arg10 : memref<!tpu.dma_semaphore, #tpu.memory_space<semaphore_mem>>) src(%dma_wait3A_25 : memref<2x16384xi32, #tpu.memory_space<hbm>>) dst(%arg4 : memref<2x16384xi32, #tpu.memory_space<vmem>>)
    %scan3A_26 = arith.constant 0 : i32
    %scan3A_27 = arith.constant 0 : i32
    %scan3A_28 = arith.constant 32 : i32
    %scan3A_29 = arith.addi %scan3A_27, %scan3A_28 : i32
    %scan3A_30 = arith.constant 1 : i32
    scf.for %scan3A_50 = %scan3A_27 to %scan3A_29 step %scan3A_30  : i32 {
      %mul3A_51 = arith.constant 512 : i32
      %mul3A_52 = arith.muli %scan3A_50, %mul3A_51 : i32
      %add3A_53 = arith.constant 0 : i32
      %add3A_54 = arith.addi %mul3A_52, %add3A_53 : i32
      %get3A = arith.constant 1 : i32
      %get3A_55 = arith.index_cast %get3A : i32 to index
      %get3A_56 = arith.index_cast %add3A_54 : i32 to index
      %get3A_57 = tpu.vector_load %arg4[%get3A_55, %get3A_56] {strides = array<i32>} : memref<2x16384xi32, #tpu.memory_space<vmem>>, vector<16xi32>,
      %add3A_58 = arith.addi %mul3A_10, %get3A_57 : vector<16xi32>
      tpu.vector_store_idx %arg5[%add3A_58], %broadcast_in_dim3A_13 {add = true} : memref<32768xf32, #tpu.memory_space<vmem>>[vector<16xi32>], vector<16xf32>,
      %mul3A_59 = arith.constant 512 : i32
      %mul3A_60 = arith.muli %scan3A_50, %mul3A_59 : i32
      %add3A_61 = arith.constant 16 : i32
      %add3A_62 = arith.addi %mul3A_60, %add3A_61 : i32
      %get3A_63 = arith.constant 1 : i32
      %get3A_64 = arith.index_cast %get3A_63 : i32 to index
      %get3A_65 = arith.index_cast %add3A_62 : i32 to index
      %get3A_66 = tpu.vector_load %arg4[%get3A_64, %get3A_65] {strides = array<i32>} : memref<2x16384xi32, #tpu.memory_space<vmem>>, vector<16xi32>,
      %add3A_67 = arith.addi %mul3A_10, %get3A_66 : vector<16xi32>
      tpu.vector_store_idx %arg6[%add3A_67], %broadcast_in_dim3A_13 {add = true} : memref<32768xf32, #tpu.memory_space<vmem>>[vector<16xi32>], vector<16xf32>,
      %mul3A_68 = arith.constant 512 : i32
      %mul3A_69 = arith.muli %scan3A_50, %mul3A_68 : i32
      %add3A_70 = arith.constant 32 : i32
      %add3A_71 = arith.addi %mul3A_69, %add3A_70 : i32
      %get3A_72 = arith.constant 1 : i32
      %get3A_73 = arith.index_cast %get3A_72 : i32 to index
      %get3A_74 = arith.index_cast %add3A_71 : i32 to index
      %get3A_75 = tpu.vector_load %arg4[%get3A_73, %get3A_74] {strides = array<i32>} : memref<2x16384xi32, #tpu.memory_space<vmem>>, vector<16xi32>,
      %add3A_76 = arith.addi %mul3A_10, %get3A_75 : vector<16xi32>
      tpu.vector_store_idx %arg5[%add3A_76], %broadcast_in_dim3A_13 {add = true} : memref<32768xf32, #tpu.memory_space<vmem>>[vector<16xi32>], vector<16xf32>,
      %mul3A_77 = arith.constant 512 : i32
      %mul3A_78 = arith.muli %scan3A_50, %mul3A_77 : i32
      %add3A_79 = arith.constant 48 : i32
      %add3A_80 = arith.addi %mul3A_78, %add3A_79 : i32
      %get3A_81 = arith.constant 1 : i32
      %get3A_82 = arith.index_cast %get3A_81 : i32 to index
      %get3A_83 = arith.index_cast %add3A_80 : i32 to index
      %get3A_84 = tpu.vector_load %arg4[%get3A_82, %get3A_83] {strides = array<i32>} : memref<2x16384xi32, #tpu.memory_space<vmem>>, vector<16xi32>,
      %add3A_85 = arith.addi %mul3A_10, %get3A_84 : vector<16xi32>
      tpu.vector_store_idx %arg6[%add3A_85], %broadcast_in_dim3A_13 {add = true} : memref<32768xf32, #tpu.memory_space<vmem>>[vector<16xi32>], vector<16xf32>,
      %mul3A_86 = arith.constant 512 : i32
      %mul3A_87 = arith.muli %scan3A_50, %mul3A_86 : i32
      %add3A_88 = arith.constant 64 : i32
      %add3A_89 = arith.addi %mul3A_87, %add3A_88 : i32
      %get3A_90 = arith.constant 1 : i32
      %get3A_91 = arith.index_cast %get3A_90 : i32 to index
      %get3A_92 = arith.index_cast %add3A_89 : i32 to index
      %get3A_93 = tpu.vector_load %arg4[%get3A_91, %get3A_92] {strides = array<i32>} : memref<2x16384xi32, #tpu.memory_space<vmem>>, vector<16xi32>,
      %add3A_94 = arith.addi %mul3A_10, %get3A_93 : vector<16xi32>
      tpu.vector_store_idx %arg5[%add3A_94], %broadcast_in_dim3A_13 {add = true} : memref<32768xf32, #tpu.memory_space<vmem>>[vector<16xi32>], vector<16xf32>,
      %mul3A_95 = arith.constant 512 : i32
      %mul3A_96 = arith.muli %scan3A_50, %mul3A_95 : i32
      %add3A_97 = arith.constant 80 : i32
      %add3A_98 = arith.addi %mul3A_96, %add3A_97 : i32
      %get3A_99 = arith.constant 1 : i32
      %get3A_100 = arith.index_cast %get3A_99 : i32 to index
      %get3A_101 = arith.index_cast %add3A_98 : i32 to index
      %get3A_102 = tpu.vector_load %arg4[%get3A_100, %get3A_101] {strides = array<i32>} : memref<2x16384xi32, #tpu.memory_space<vmem>>, vector<16xi32>,
      %add3A_103 = arith.addi %mul3A_10, %get3A_102 : vector<16xi32>
      tpu.vector_store_idx %arg6[%add3A_103], %broadcast_in_dim3A_13 {add = true} : memref<32768xf32, #tpu.memory_space<vmem>>[vector<16xi32>], vector<16xf32>,
      %mul3A_104 = arith.constant 512 : i32
      %mul3A_105 = arith.muli %scan3A_50, %mul3A_104 : i32
      %add3A_106 = arith.constant 96 : i32
      %add3A_107 = arith.addi %mul3A_105, %add3A_106 : i32
      %get3A_108 = arith.constant 1 : i32
      %get3A_109 = arith.index_cast %get3A_108 : i32 to index
      %get3A_110 = arith.index_cast %add3A_107 : i32 to index
      %get3A_111 = tpu.vector_load %arg4[%get3A_109, %get3A_110] {strides = array<i32>} : memref<2x16384xi32, #tpu.memory_space<vmem>>, vector<16xi32>,
      %add3A_112 = arith.addi %mul3A_10, %get3A_111 : vector<16xi32>
      tpu.vector_store_idx %arg5[%add3A_112], %broadcast_in_dim3A_13 {add = true} : memref<32768xf32, #tpu.memory_space<vmem>>[vector<16xi32>], vector<16xf32>,
      %mul3A_113 = arith.constant 512 : i32
      %mul3A_114 = arith.muli %scan3A_50, %mul3A_113 : i32
      %add3A_115 = arith.constant 112 : i32
      %add3A_116 = arith.addi %mul3A_114, %add3A_115 : i32
      %get3A_117 = arith.constant 1 : i32
      %get3A_118 = arith.index_cast %get3A_117 : i32 to index
      %get3A_119 = arith.index_cast %add3A_116 : i32 to index
      %get3A_120 = tpu.vector_load %arg4[%get3A_118, %get3A_119] {strides = array<i32>} : memref<2x16384xi32, #tpu.memory_space<vmem>>, vector<16xi32>,
      %add3A_121 = arith.addi %mul3A_10, %get3A_120 : vector<16xi32>
      tpu.vector_store_idx %arg6[%add3A_121], %broadcast_in_dim3A_13 {add = true} : memref<32768xf32, #tpu.memory_space<vmem>>[vector<16xi32>], vector<16xf32>,
      %mul3A_122 = arith.constant 512 : i32
      %mul3A_123 = arith.muli %scan3A_50, %mul3A_122 : i32
      %add3A_124 = arith.constant 128 : i32
      %add3A_125 = arith.addi %mul3A_123, %add3A_124 : i32
      %get3A_126 = arith.constant 1 : i32
      %get3A_127 = arith.index_cast %get3A_126 : i32 to index
      %get3A_128 = arith.index_cast %add3A_125 : i32 to index
      %get3A_129 = tpu.vector_load %arg4[%get3A_127, %get3A_128] {strides = array<i32>} : memref<2x16384xi32, #tpu.memory_space<vmem>>, vector<16xi32>,
      %add3A_130 = arith.addi %mul3A_10, %get3A_129 : vector<16xi32>
      tpu.vector_store_idx %arg5[%add3A_130], %broadcast_in_dim3A_13 {add = true} : memref<32768xf32, #tpu.memory_space<vmem>>[vector<16xi32>], vector<16xf32>,
      %mul3A_131 = arith.constant 512 : i32
      %mul3A_132 = arith.muli %scan3A_50, %mul3A_131 : i32
      %add3A_133 = arith.constant 144 : i32
      %add3A_134 = arith.addi %mul3A_132, %add3A_133 : i32
      %get3A_135 = arith.constant 1 : i32
      %get3A_136 = arith.index_cast %get3A_135 : i32 to index
      %get3A_137 = arith.index_cast %add3A_134 : i32 to index
      %get3A_138 = tpu.vector_load %arg4[%get3A_136, %get3A_137] {strides = array<i32>} : memref<2x16384xi32, #tpu.memory_space<vmem>>, vector<16xi32>,
      %add3A_139 = arith.addi %mul3A_10, %get3A_138 : vector<16xi32>
      tpu.vector_store_idx %arg6[%add3A_139], %broadcast_in_dim3A_13 {add = true} : memref<32768xf32, #tpu.memory_space<vmem>>[vector<16xi32>], vector<16xf32>,
      %mul3A_140 = arith.constant 512 : i32
      %mul3A_141 = arith.muli %scan3A_50, %mul3A_140 : i32
      %add3A_142 = arith.constant 160 : i32
      %add3A_143 = arith.addi %mul3A_141, %add3A_142 : i32
      %get3A_144 = arith.constant 1 : i32
      %get3A_145 = arith.index_cast %get3A_144 : i32 to index
      %get3A_146 = arith.index_cast %add3A_143 : i32 to index
      %get3A_147 = tpu.vector_load %arg4[%get3A_145, %get3A_146] {strides = array<i32>} : memref<2x16384xi32, #tpu.memory_space<vmem>>, vector<16xi32>,
      %add3A_148 = arith.addi %mul3A_10, %get3A_147 : vector<16xi32>
      tpu.vector_store_idx %arg5[%add3A_148], %broadcast_in_dim3A_13 {add = true} : memref<32768xf32, #tpu.memory_space<vmem>>[vector<16xi32>], vector<16xf32>,
      %mul3A_149 = arith.constant 512 : i32
      %mul3A_150 = arith.muli %scan3A_50, %mul3A_149 : i32
      %add3A_151 = arith.constant 176 : i32
      %add3A_152 = arith.addi %mul3A_150, %add3A_151 : i32
      %get3A_153 = arith.constant 1 : i32
      %get3A_154 = arith.index_cast %get3A_153 : i32 to index
      %get3A_155 = arith.index_cast %add3A_152 : i32 to index
      %get3A_156 = tpu.vector_load %arg4[%get3A_154, %get3A_155] {strides = array<i32>} : memref<2x16384xi32, #tpu.memory_space<vmem>>, vector<16xi32>,
      %add3A_157 = arith.addi %mul3A_10, %get3A_156 : vector<16xi32>
      tpu.vector_store_idx %arg6[%add3A_157], %broadcast_in_dim3A_13 {add = true} : memref<32768xf32, #tpu.memory_space<vmem>>[vector<16xi32>], vector<16xf32>,
      %mul3A_158 = arith.constant 512 : i32
      %mul3A_159 = arith.muli %scan3A_50, %mul3A_158 : i32
      %add3A_160 = arith.constant 192 : i32
      %add3A_161 = arith.addi %mul3A_159, %add3A_160 : i32
      %get3A_162 = arith.constant 1 : i32
      %get3A_163 = arith.index_cast %get3A_162 : i32 to index
      %get3A_164 = arith.index_cast %add3A_161 : i32 to index
      %get3A_165 = tpu.vector_load %arg4[%get3A_163, %get3A_164] {strides = array<i32>} : memref<2x16384xi32, #tpu.memory_space<vmem>>, vector<16xi32>,
      %add3A_166 = arith.addi %mul3A_10, %get3A_165 : vector<16xi32>
      tpu.vector_store_idx %arg5[%add3A_166], %broadcast_in_dim3A_13 {add = true} : memref<32768xf32, #tpu.memory_space<vmem>>[vector<16xi32>], vector<16xf32>,
      %mul3A_167 = arith.constant 512 : i32
      %mul3A_168 = arith.muli %scan3A_50, %mul3A_167 : i32
      %add3A_169 = arith.constant 208 : i32
      %add3A_170 = arith.addi %mul3A_168, %add3A_169 : i32
      %get3A_171 = arith.constant 1 : i32
      %get3A_172 = arith.index_cast %get3A_171 : i32 to index
      %get3A_173 = arith.index_cast %add3A_170 : i32 to index
      %get3A_174 = tpu.vector_load %arg4[%get3A_172, %get3A_173] {strides = array<i32>} : memref<2x16384xi32, #tpu.memory_space<vmem>>, vector<16xi32>,
      %add3A_175 = arith.addi %mul3A_10, %get3A_174 : vector<16xi32>
      tpu.vector_store_idx %arg6[%add3A_175], %broadcast_in_dim3A_13 {add = true} : memref<32768xf32, #tpu.memory_space<vmem>>[vector<16xi32>], vector<16xf32>,
      %mul3A_176 = arith.constant 512 : i32
      %mul3A_177 = arith.muli %scan3A_50, %mul3A_176 : i32
      %add3A_178 = arith.constant 224 : i32
      %add3A_179 = arith.addi %mul3A_177, %add3A_178 : i32
      %get3A_180 = arith.constant 1 : i32
      %get3A_181 = arith.index_cast %get3A_180 : i32 to index
      %get3A_182 = arith.index_cast %add3A_179 : i32 to index
      %get3A_183 = tpu.vector_load %arg4[%get3A_181, %get3A_182] {strides = array<i32>} : memref<2x16384xi32, #tpu.memory_space<vmem>>, vector<16xi32>,
      %add3A_184 = arith.addi %mul3A_10, %get3A_183 : vector<16xi32>
      tpu.vector_store_idx %arg5[%add3A_184], %broadcast_in_dim3A_13 {add = true} : memref<32768xf32, #tpu.memory_space<vmem>>[vector<16xi32>], vector<16xf32>,
      %mul3A_185 = arith.constant 512 : i32
      %mul3A_186 = arith.muli %scan3A_50, %mul3A_185 : i32
      %add3A_187 = arith.constant 240 : i32
      %add3A_188 = arith.addi %mul3A_186, %add3A_187 : i32
      %get3A_189 = arith.constant 1 : i32
      %get3A_190 = arith.index_cast %get3A_189 : i32 to index
      %get3A_191 = arith.index_cast %add3A_188 : i32 to index
      %get3A_192 = tpu.vector_load %arg4[%get3A_190, %get3A_191] {strides = array<i32>} : memref<2x16384xi32, #tpu.memory_space<vmem>>, vector<16xi32>,
      %add3A_193 = arith.addi %mul3A_10, %get3A_192 : vector<16xi32>
      tpu.vector_store_idx %arg6[%add3A_193], %broadcast_in_dim3A_13 {add = true} : memref<32768xf32, #tpu.memory_space<vmem>>[vector<16xi32>], vector<16xf32>,
      %mul3A_194 = arith.constant 512 : i32
      %mul3A_195 = arith.muli %scan3A_50, %mul3A_194 : i32
      %add3A_196 = arith.constant 256 : i32
      %add3A_197 = arith.addi %mul3A_195, %add3A_196 : i32
      %get3A_198 = arith.constant 1 : i32
      %get3A_199 = arith.index_cast %get3A_198 : i32 to index
      %get3A_200 = arith.index_cast %add3A_197 : i32 to index
      %get3A_201 = tpu.vector_load %arg4[%get3A_199, %get3A_200] {strides = array<i32>} : memref<2x16384xi32, #tpu.memory_space<vmem>>, vector<16xi32>,
      %add3A_202 = arith.addi %mul3A_10, %get3A_201 : vector<16xi32>
      tpu.vector_store_idx %arg5[%add3A_202], %broadcast_in_dim3A_13 {add = true} : memref<32768xf32, #tpu.memory_space<vmem>>[vector<16xi32>], vector<16xf32>,
      %mul3A_203 = arith.constant 512 : i32
      %mul3A_204 = arith.muli %scan3A_50, %mul3A_203 : i32
      %add3A_205 = arith.constant 272 : i32
      %add3A_206 = arith.addi %mul3A_204, %add3A_205 : i32
      %get3A_207 = arith.constant 1 : i32
      %get3A_208 = arith.index_cast %get3A_207 : i32 to index
      %get3A_209 = arith.index_cast %add3A_206 : i32 to index
      %get3A_210 = tpu.vector_load %arg4[%get3A_208, %get3A_209] {strides = array<i32>} : memref<2x16384xi32, #tpu.memory_space<vmem>>, vector<16xi32>,
      %add3A_211 = arith.addi %mul3A_10, %get3A_210 : vector<16xi32>
      tpu.vector_store_idx %arg6[%add3A_211], %broadcast_in_dim3A_13 {add = true} : memref<32768xf32, #tpu.memory_space<vmem>>[vector<16xi32>], vector<16xf32>,
      %mul3A_212 = arith.constant 512 : i32
      %mul3A_213 = arith.muli %scan3A_50, %mul3A_212 : i32
      %add3A_214 = arith.constant 288 : i32
      %add3A_215 = arith.addi %mul3A_213, %add3A_214 : i32
      %get3A_216 = arith.constant 1 : i32
      %get3A_217 = arith.index_cast %get3A_216 : i32 to index
      %get3A_218 = arith.index_cast %add3A_215 : i32 to index
      %get3A_219 = tpu.vector_load %arg4[%get3A_217, %get3A_218] {strides = array<i32>} : memref<2x16384xi32, #tpu.memory_space<vmem>>, vector<16xi32>,
      %add3A_220 = arith.addi %mul3A_10, %get3A_219 : vector<16xi32>
      tpu.vector_store_idx %arg5[%add3A_220], %broadcast_in_dim3A_13 {add = true} : memref<32768xf32, #tpu.memory_space<vmem>>[vector<16xi32>], vector<16xf32>,
      %mul3A_221 = arith.constant 512 : i32
      %mul3A_222 = arith.muli %scan3A_50, %mul3A_221 : i32
      %add3A_223 = arith.constant 304 : i32
      %add3A_224 = arith.addi %mul3A_222, %add3A_223 : i32
      %get3A_225 = arith.constant 1 : i32
      %get3A_226 = arith.index_cast %get3A_225 : i32 to index
      %get3A_227 = arith.index_cast %add3A_224 : i32 to index
      %get3A_228 = tpu.vector_load %arg4[%get3A_226, %get3A_227] {strides = array<i32>} : memref<2x16384xi32, #tpu.memory_space<vmem>>, vector<16xi32>,
      %add3A_229 = arith.addi %mul3A_10, %get3A_228 : vector<16xi32>
      tpu.vector_store_idx %arg6[%add3A_229], %broadcast_in_dim3A_13 {add = true} : memref<32768xf32, #tpu.memory_space<vmem>>[vector<16xi32>], vector<16xf32>,
      %mul3A_230 = arith.constant 512 : i32
      %mul3A_231 = arith.muli %scan3A_50, %mul3A_230 : i32
      %add3A_232 = arith.constant 320 : i32
      %add3A_233 = arith.addi %mul3A_231, %add3A_232 : i32
      %get3A_234 = arith.constant 1 : i32
      %get3A_235 = arith.index_cast %get3A_234 : i32 to index
      %get3A_236 = arith.index_cast %add3A_233 : i32 to index
      %get3A_237 = tpu.vector_load %arg4[%get3A_235, %get3A_236] {strides = array<i32>} : memref<2x16384xi32, #tpu.memory_space<vmem>>, vector<16xi32>,
      %add3A_238 = arith.addi %mul3A_10, %get3A_237 : vector<16xi32>
      tpu.vector_store_idx %arg5[%add3A_238], %broadcast_in_dim3A_13 {add = true} : memref<32768xf32, #tpu.memory_space<vmem>>[vector<16xi32>], vector<16xf32>,
      %mul3A_239 = arith.constant 512 : i32
      %mul3A_240 = arith.muli %scan3A_50, %mul3A_239 : i32
      %add3A_241 = arith.constant 336 : i32
      %add3A_242 = arith.addi %mul3A_240, %add3A_241 : i32
      %get3A_243 = arith.constant 1 : i32
      %get3A_244 = arith.index_cast %get3A_243 : i32 to index
      %get3A_245 = arith.index_cast %add3A_242 : i32 to index
      %get3A_246 = tpu.vector_load %arg4[%get3A_244, %get3A_245] {strides = array<i32>} : memref<2x16384xi32, #tpu.memory_space<vmem>>, vector<16xi32>,
      %add3A_247 = arith.addi %mul3A_10, %get3A_246 : vector<16xi32>
      tpu.vector_store_idx %arg6[%add3A_247], %broadcast_in_dim3A_13 {add = true} : memref<32768xf32, #tpu.memory_space<vmem>>[vector<16xi32>], vector<16xf32>,
      %mul3A_248 = arith.constant 512 : i32
      %mul3A_249 = arith.muli %scan3A_50, %mul3A_248 : i32
      %add3A_250 = arith.constant 352 : i32
      %add3A_251 = arith.addi %mul3A_249, %add3A_250 : i32
      %get3A_252 = arith.constant 1 : i32
      %get3A_253 = arith.index_cast %get3A_252 : i32 to index
      %get3A_254 = arith.index_cast %add3A_251 : i32 to index
      %get3A_255 = tpu.vector_load %arg4[%get3A_253, %get3A_254] {strides = array<i32>} : memref<2x16384xi32, #tpu.memory_space<vmem>>, vector<16xi32>,
      %add3A_256 = arith.addi %mul3A_10, %get3A_255 : vector<16xi32>
      tpu.vector_store_idx %arg5[%add3A_256], %broadcast_in_dim3A_13 {add = true} : memref<32768xf32, #tpu.memory_space<vmem>>[vector<16xi32>], vector<16xf32>,
      %mul3A_257 = arith.constant 512 : i32
      %mul3A_258 = arith.muli %scan3A_50, %mul3A_257 : i32
      %add3A_259 = arith.constant 368 : i32
      %add3A_260 = arith.addi %mul3A_258, %add3A_259 : i32
      %get3A_261 = arith.constant 1 : i32
      %get3A_262 = arith.index_cast %get3A_261 : i32 to index
      %get3A_263 = arith.index_cast %add3A_260 : i32 to index
      %get3A_264 = tpu.vector_load %arg4[%get3A_262, %get3A_263] {strides = array<i32>} : memref<2x16384xi32, #tpu.memory_space<vmem>>, vector<16xi32>,
      %add3A_265 = arith.addi %mul3A_10, %get3A_264 : vector<16xi32>
      tpu.vector_store_idx %arg6[%add3A_265], %broadcast_in_dim3A_13 {add = true} : memref<32768xf32, #tpu.memory_space<vmem>>[vector<16xi32>], vector<16xf32>,
      %mul3A_266 = arith.constant 512 : i32
      %mul3A_267 = arith.muli %scan3A_50, %mul3A_266 : i32
      %add3A_268 = arith.constant 384 : i32
      %add3A_269 = arith.addi %mul3A_267, %add3A_268 : i32
      %get3A_270 = arith.constant 1 : i32
      %get3A_271 = arith.index_cast %get3A_270 : i32 to index
      %get3A_272 = arith.index_cast %add3A_269 : i32 to index
      %get3A_273 = tpu.vector_load %arg4[%get3A_271, %get3A_272] {strides = array<i32>} : memref<2x16384xi32, #tpu.memory_space<vmem>>, vector<16xi32>,
      %add3A_274 = arith.addi %mul3A_10, %get3A_273 : vector<16xi32>
      tpu.vector_store_idx %arg5[%add3A_274], %broadcast_in_dim3A_13 {add = true} : memref<32768xf32, #tpu.memory_space<vmem>>[vector<16xi32>], vector<16xf32>,
      %mul3A_275 = arith.constant 512 : i32
      %mul3A_276 = arith.muli %scan3A_50, %mul3A_275 : i32
      %add3A_277 = arith.constant 400 : i32
      %add3A_278 = arith.addi %mul3A_276, %add3A_277 : i32
      %get3A_279 = arith.constant 1 : i32
      %get3A_280 = arith.index_cast %get3A_279 : i32 to index
      %get3A_281 = arith.index_cast %add3A_278 : i32 to index
      %get3A_282 = tpu.vector_load %arg4[%get3A_280, %get3A_281] {strides = array<i32>} : memref<2x16384xi32, #tpu.memory_space<vmem>>, vector<16xi32>,
      %add3A_283 = arith.addi %mul3A_10, %get3A_282 : vector<16xi32>
      tpu.vector_store_idx %arg6[%add3A_283], %broadcast_in_dim3A_13 {add = true} : memref<32768xf32, #tpu.memory_space<vmem>>[vector<16xi32>], vector<16xf32>,
      %mul3A_284 = arith.constant 512 : i32
      %mul3A_285 = arith.muli %scan3A_50, %mul3A_284 : i32
      %add3A_286 = arith.constant 416 : i32
      %add3A_287 = arith.addi %mul3A_285, %add3A_286 : i32
      %get3A_288 = arith.constant 1 : i32
      %get3A_289 = arith.index_cast %get3A_288 : i32 to index
      %get3A_290 = arith.index_cast %add3A_287 : i32 to index
      %get3A_291 = tpu.vector_load %arg4[%get3A_289, %get3A_290] {strides = array<i32>} : memref<2x16384xi32, #tpu.memory_space<vmem>>, vector<16xi32>,
      %add3A_292 = arith.addi %mul3A_10, %get3A_291 : vector<16xi32>
      tpu.vector_store_idx %arg5[%add3A_292], %broadcast_in_dim3A_13 {add = true} : memref<32768xf32, #tpu.memory_space<vmem>>[vector<16xi32>], vector<16xf32>,
      %mul3A_293 = arith.constant 512 : i32
      %mul3A_294 = arith.muli %scan3A_50, %mul3A_293 : i32
      %add3A_295 = arith.constant 432 : i32
      %add3A_296 = arith.addi %mul3A_294, %add3A_295 : i32
      %get3A_297 = arith.constant 1 : i32
      %get3A_298 = arith.index_cast %get3A_297 : i32 to index
      %get3A_299 = arith.index_cast %add3A_296 : i32 to index
      %get3A_300 = tpu.vector_load %arg4[%get3A_298, %get3A_299] {strides = array<i32>} : memref<2x16384xi32, #tpu.memory_space<vmem>>, vector<16xi32>,
      %add3A_301 = arith.addi %mul3A_10, %get3A_300 : vector<16xi32>
      tpu.vector_store_idx %arg6[%add3A_301], %broadcast_in_dim3A_13 {add = true} : memref<32768xf32, #tpu.memory_space<vmem>>[vector<16xi32>], vector<16xf32>,
      %mul3A_302 = arith.constant 512 : i32
      %mul3A_303 = arith.muli %scan3A_50, %mul3A_302 : i32
      %add3A_304 = arith.constant 448 : i32
      %add3A_305 = arith.addi %mul3A_303, %add3A_304 : i32
      %get3A_306 = arith.constant 1 : i32
      %get3A_307 = arith.index_cast %get3A_306 : i32 to index
      %get3A_308 = arith.index_cast %add3A_305 : i32 to index
      %get3A_309 = tpu.vector_load %arg4[%get3A_307, %get3A_308] {strides = array<i32>} : memref<2x16384xi32, #tpu.memory_space<vmem>>, vector<16xi32>,
      %add3A_310 = arith.addi %mul3A_10, %get3A_309 : vector<16xi32>
      tpu.vector_store_idx %arg5[%add3A_310], %broadcast_in_dim3A_13 {add = true} : memref<32768xf32, #tpu.memory_space<vmem>>[vector<16xi32>], vector<16xf32>,
      %mul3A_311 = arith.constant 512 : i32
      %mul3A_312 = arith.muli %scan3A_50, %mul3A_311 : i32
      %add3A_313 = arith.constant 464 : i32
      %add3A_314 = arith.addi %mul3A_312, %add3A_313 : i32
      %get3A_315 = arith.constant 1 : i32
      %get3A_316 = arith.index_cast %get3A_315 : i32 to index
      %get3A_317 = arith.index_cast %add3A_314 : i32 to index
      %get3A_318 = tpu.vector_load %arg4[%get3A_316, %get3A_317] {strides = array<i32>} : memref<2x16384xi32, #tpu.memory_space<vmem>>, vector<16xi32>,
      %add3A_319 = arith.addi %mul3A_10, %get3A_318 : vector<16xi32>
      tpu.vector_store_idx %arg6[%add3A_319], %broadcast_in_dim3A_13 {add = true} : memref<32768xf32, #tpu.memory_space<vmem>>[vector<16xi32>], vector<16xf32>,
      %mul3A_320 = arith.constant 512 : i32
      %mul3A_321 = arith.muli %scan3A_50, %mul3A_320 : i32
      %add3A_322 = arith.constant 480 : i32
      %add3A_323 = arith.addi %mul3A_321, %add3A_322 : i32
      %get3A_324 = arith.constant 1 : i32
      %get3A_325 = arith.index_cast %get3A_324 : i32 to index
      %get3A_326 = arith.index_cast %add3A_323 : i32 to index
      %get3A_327 = tpu.vector_load %arg4[%get3A_325, %get3A_326] {strides = array<i32>} : memref<2x16384xi32, #tpu.memory_space<vmem>>, vector<16xi32>,
      %add3A_328 = arith.addi %mul3A_10, %get3A_327 : vector<16xi32>
      tpu.vector_store_idx %arg5[%add3A_328], %broadcast_in_dim3A_13 {add = true} : memref<32768xf32, #tpu.memory_space<vmem>>[vector<16xi32>], vector<16xf32>,
      %mul3A_329 = arith.constant 512 : i32
      %mul3A_330 = arith.muli %scan3A_50, %mul3A_329 : i32
      %add3A_331 = arith.constant 496 : i32
      %add3A_332 = arith.addi %mul3A_330, %add3A_331 : i32
      %get3A_333 = arith.constant 1 : i32
      %get3A_334 = arith.index_cast %get3A_333 : i32 to index
      %get3A_335 = arith.index_cast %add3A_332 : i32 to index
      %get3A_336 = tpu.vector_load %arg4[%get3A_334, %get3A_335] {strides = array<i32>} : memref<2x16384xi32, #tpu.memory_space<vmem>>, vector<16xi32>,
      %add3A_337 = arith.addi %mul3A_10, %get3A_336 : vector<16xi32>
      tpu.vector_store_idx %arg6[%add3A_337], %broadcast_in_dim3A_13 {add = true} : memref<32768xf32, #tpu.memory_space<vmem>>[vector<16xi32>], vector<16xf32>,
    }
    %scan3A_31 = arith.constant 32 : i32
    %scan3A_32 = arith.constant 0 : i32
    %scan3A_33 = arith.constant 0 : i32
    %scan3A_34 = arith.constant 128 : i32
    %scan3A_35 = arith.addi %scan3A_33, %scan3A_34 : i32
    %scan3A_36 = arith.constant 1 : i32
    scf.for %scan3A_50 = %scan3A_33 to %scan3A_35 step %scan3A_36  : i32 {
      %mul3A_51 = arith.constant 16 : i32
      %mul3A_52 = arith.muli %scan3A_50, %mul3A_51 : i32
      %add3A_53 = arith.constant 0 : i32
      %add3A_54 = arith.addi %add3A_53, %mul3A_52 : i32
      %get3A = arith.index_cast %add3A_54 : i32 to index
      %get3A_55 = tpu.vector_load %arg5[%get3A] {strides = array<i32>} : memref<32768xf32, #tpu.memory_space<vmem>>, vector<16xf32>,
      %mul3A_56 = arith.constant 16 : i32
      %mul3A_57 = arith.muli %scan3A_50, %mul3A_56 : i32
      %add3A_58 = arith.constant 2048 : i32
      %add3A_59 = arith.addi %add3A_58, %mul3A_57 : i32
      %get3A_60 = arith.index_cast %add3A_59 : i32 to index
      %get3A_61 = tpu.vector_load %arg5[%get3A_60] {strides = array<i32>} : memref<32768xf32, #tpu.memory_space<vmem>>, vector<16xf32>,
      %mul3A_62 = arith.constant 16 : i32
      %mul3A_63 = arith.muli %scan3A_50, %mul3A_62 : i32
      %add3A_64 = arith.constant 4096 : i32
      %add3A_65 = arith.addi %add3A_64, %mul3A_63 : i32
      %get3A_66 = arith.index_cast %add3A_65 : i32 to index
      %get3A_67 = tpu.vector_load %arg5[%get3A_66] {strides = array<i32>} : memref<32768xf32, #tpu.memory_space<vmem>>, vector<16xf32>,
      %mul3A_68 = arith.constant 16 : i32
      %mul3A_69 = arith.muli %scan3A_50, %mul3A_68 : i32
      %add3A_70 = arith.constant 6144 : i32
      %add3A_71 = arith.addi %add3A_70, %mul3A_69 : i32
      %get3A_72 = arith.index_cast %add3A_71 : i32 to index
      %get3A_73 = tpu.vector_load %arg5[%get3A_72] {strides = array<i32>} : memref<32768xf32, #tpu.memory_space<vmem>>, vector<16xf32>,
      %mul3A_74 = arith.constant 16 : i32
      %mul3A_75 = arith.muli %scan3A_50, %mul3A_74 : i32
      %add3A_76 = arith.constant 8192 : i32
      %add3A_77 = arith.addi %add3A_76, %mul3A_75 : i32
      %get3A_78 = arith.index_cast %add3A_77 : i32 to index
      %get3A_79 = tpu.vector_load %arg5[%get3A_78] {strides = array<i32>} : memref<32768xf32, #tpu.memory_space<vmem>>, vector<16xf32>,
      %mul3A_80 = arith.constant 16 : i32
      %mul3A_81 = arith.muli %scan3A_50, %mul3A_80 : i32
      %add3A_82 = arith.constant 10240 : i32
      %add3A_83 = arith.addi %add3A_82, %mul3A_81 : i32
      %get3A_84 = arith.index_cast %add3A_83 : i32 to index
      %get3A_85 = tpu.vector_load %arg5[%get3A_84] {strides = array<i32>} : memref<32768xf32, #tpu.memory_space<vmem>>, vector<16xf32>,
      %mul3A_86 = arith.constant 16 : i32
      %mul3A_87 = arith.muli %scan3A_50, %mul3A_86 : i32
      %add3A_88 = arith.constant 12288 : i32
      %add3A_89 = arith.addi %add3A_88, %mul3A_87 : i32
      %get3A_90 = arith.index_cast %add3A_89 : i32 to index
      %get3A_91 = tpu.vector_load %arg5[%get3A_90] {strides = array<i32>} : memref<32768xf32, #tpu.memory_space<vmem>>, vector<16xf32>,
      %mul3A_92 = arith.constant 16 : i32
      %mul3A_93 = arith.muli %scan3A_50, %mul3A_92 : i32
      %add3A_94 = arith.constant 14336 : i32
      %add3A_95 = arith.addi %add3A_94, %mul3A_93 : i32
      %get3A_96 = arith.index_cast %add3A_95 : i32 to index
      %get3A_97 = tpu.vector_load %arg5[%get3A_96] {strides = array<i32>} : memref<32768xf32, #tpu.memory_space<vmem>>, vector<16xf32>,
      %mul3A_98 = arith.constant 16 : i32
      %mul3A_99 = arith.muli %scan3A_50, %mul3A_98 : i32
      %add3A_100 = arith.constant 16384 : i32
      %add3A_101 = arith.addi %add3A_100, %mul3A_99 : i32
      %get3A_102 = arith.index_cast %add3A_101 : i32 to index
      %get3A_103 = tpu.vector_load %arg5[%get3A_102] {strides = array<i32>} : memref<32768xf32, #tpu.memory_space<vmem>>, vector<16xf32>,
      %mul3A_104 = arith.constant 16 : i32
      %mul3A_105 = arith.muli %scan3A_50, %mul3A_104 : i32
      %add3A_106 = arith.constant 18432 : i32
      %add3A_107 = arith.addi %add3A_106, %mul3A_105 : i32
      %get3A_108 = arith.index_cast %add3A_107 : i32 to index
      %get3A_109 = tpu.vector_load %arg5[%get3A_108] {strides = array<i32>} : memref<32768xf32, #tpu.memory_space<vmem>>, vector<16xf32>,
      %mul3A_110 = arith.constant 16 : i32
      %mul3A_111 = arith.muli %scan3A_50, %mul3A_110 : i32
      %add3A_112 = arith.constant 20480 : i32
      %add3A_113 = arith.addi %add3A_112, %mul3A_111 : i32
      %get3A_114 = arith.index_cast %add3A_113 : i32 to index
      %get3A_115 = tpu.vector_load %arg5[%get3A_114] {strides = array<i32>} : memref<32768xf32, #tpu.memory_space<vmem>>, vector<16xf32>,
      %mul3A_116 = arith.constant 16 : i32
      %mul3A_117 = arith.muli %scan3A_50, %mul3A_116 : i32
      %add3A_118 = arith.constant 22528 : i32
      %add3A_119 = arith.addi %add3A_118, %mul3A_117 : i32
      %get3A_120 = arith.index_cast %add3A_119 : i32 to index
      %get3A_121 = tpu.vector_load %arg5[%get3A_120] {strides = array<i32>} : memref<32768xf32, #tpu.memory_space<vmem>>, vector<16xf32>,
      %mul3A_122 = arith.constant 16 : i32
      %mul3A_123 = arith.muli %scan3A_50, %mul3A_122 : i32
      %add3A_124 = arith.constant 24576 : i32
      %add3A_125 = arith.addi %add3A_124, %mul3A_123 : i32
      %get3A_126 = arith.index_cast %add3A_125 : i32 to index
      %get3A_127 = tpu.vector_load %arg5[%get3A_126] {strides = array<i32>} : memref<32768xf32, #tpu.memory_space<vmem>>, vector<16xf32>,
      %mul3A_128 = arith.constant 16 : i32
      %mul3A_129 = arith.muli %scan3A_50, %mul3A_128 : i32
      %add3A_130 = arith.constant 26624 : i32
      %add3A_131 = arith.addi %add3A_130, %mul3A_129 : i32
      %get3A_132 = arith.index_cast %add3A_131 : i32 to index
      %get3A_133 = tpu.vector_load %arg5[%get3A_132] {strides = array<i32>} : memref<32768xf32, #tpu.memory_space<vmem>>, vector<16xf32>,
      %mul3A_134 = arith.constant 16 : i32
      %mul3A_135 = arith.muli %scan3A_50, %mul3A_134 : i32
      %add3A_136 = arith.constant 28672 : i32
      %add3A_137 = arith.addi %add3A_136, %mul3A_135 : i32
      %get3A_138 = arith.index_cast %add3A_137 : i32 to index
      %get3A_139 = tpu.vector_load %arg5[%get3A_138] {strides = array<i32>} : memref<32768xf32, #tpu.memory_space<vmem>>, vector<16xf32>,
      %mul3A_140 = arith.constant 16 : i32
      %mul3A_141 = arith.muli %scan3A_50, %mul3A_140 : i32
      %add3A_142 = arith.constant 30720 : i32
      %add3A_143 = arith.addi %add3A_142, %mul3A_141 : i32
      %get3A_144 = arith.index_cast %add3A_143 : i32 to index
      %get3A_145 = tpu.vector_load %arg5[%get3A_144] {strides = array<i32>} : memref<32768xf32, #tpu.memory_space<vmem>>, vector<16xf32>,
      %mul3A_146 = arith.constant 16 : i32
      %mul3A_147 = arith.muli %scan3A_50, %mul3A_146 : i32
      %add3A_148 = arith.constant 0 : i32
      %add3A_149 = arith.addi %add3A_148, %mul3A_147 : i32
      %get3A_150 = arith.index_cast %add3A_149 : i32 to index
      %get3A_151 = tpu.vector_load %arg6[%get3A_150] {strides = array<i32>} : memref<32768xf32, #tpu.memory_space<vmem>>, vector<16xf32>,
      %mul3A_152 = arith.constant 16 : i32
      %mul3A_153 = arith.muli %scan3A_50, %mul3A_152 : i32
      %add3A_154 = arith.constant 2048 : i32
      %add3A_155 = arith.addi %add3A_154, %mul3A_153 : i32
      %get3A_156 = arith.index_cast %add3A_155 : i32 to index
      %get3A_157 = tpu.vector_load %arg6[%get3A_156] {strides = array<i32>} : memref<32768xf32, #tpu.memory_space<vmem>>, vector<16xf32>,
      %mul3A_158 = arith.constant 16 : i32
      %mul3A_159 = arith.muli %scan3A_50, %mul3A_158 : i32
      %add3A_160 = arith.constant 4096 : i32
      %add3A_161 = arith.addi %add3A_160, %mul3A_159 : i32
      %get3A_162 = arith.index_cast %add3A_161 : i32 to index
      %get3A_163 = tpu.vector_load %arg6[%get3A_162] {strides = array<i32>} : memref<32768xf32, #tpu.memory_space<vmem>>, vector<16xf32>,
      %mul3A_164 = arith.constant 16 : i32
      %mul3A_165 = arith.muli %scan3A_50, %mul3A_164 : i32
      %add3A_166 = arith.constant 6144 : i32
      %add3A_167 = arith.addi %add3A_166, %mul3A_165 : i32
      %get3A_168 = arith.index_cast %add3A_167 : i32 to index
      %get3A_169 = tpu.vector_load %arg6[%get3A_168] {strides = array<i32>} : memref<32768xf32, #tpu.memory_space<vmem>>, vector<16xf32>,
      %mul3A_170 = arith.constant 16 : i32
      %mul3A_171 = arith.muli %scan3A_50, %mul3A_170 : i32
      %add3A_172 = arith.constant 8192 : i32
      %add3A_173 = arith.addi %add3A_172, %mul3A_171 : i32
      %get3A_174 = arith.index_cast %add3A_173 : i32 to index
      %get3A_175 = tpu.vector_load %arg6[%get3A_174] {strides = array<i32>} : memref<32768xf32, #tpu.memory_space<vmem>>, vector<16xf32>,
      %mul3A_176 = arith.constant 16 : i32
      %mul3A_177 = arith.muli %scan3A_50, %mul3A_176 : i32
      %add3A_178 = arith.constant 10240 : i32
      %add3A_179 = arith.addi %add3A_178, %mul3A_177 : i32
      %get3A_180 = arith.index_cast %add3A_179 : i32 to index
      %get3A_181 = tpu.vector_load %arg6[%get3A_180] {strides = array<i32>} : memref<32768xf32, #tpu.memory_space<vmem>>, vector<16xf32>,
      %mul3A_182 = arith.constant 16 : i32
      %mul3A_183 = arith.muli %scan3A_50, %mul3A_182 : i32
      %add3A_184 = arith.constant 12288 : i32
      %add3A_185 = arith.addi %add3A_184, %mul3A_183 : i32
      %get3A_186 = arith.index_cast %add3A_185 : i32 to index
      %get3A_187 = tpu.vector_load %arg6[%get3A_186] {strides = array<i32>} : memref<32768xf32, #tpu.memory_space<vmem>>, vector<16xf32>,
      %mul3A_188 = arith.constant 16 : i32
      %mul3A_189 = arith.muli %scan3A_50, %mul3A_188 : i32
      %add3A_190 = arith.constant 14336 : i32
      %add3A_191 = arith.addi %add3A_190, %mul3A_189 : i32
      %get3A_192 = arith.index_cast %add3A_191 : i32 to index
      %get3A_193 = tpu.vector_load %arg6[%get3A_192] {strides = array<i32>} : memref<32768xf32, #tpu.memory_space<vmem>>, vector<16xf32>,
      %mul3A_194 = arith.constant 16 : i32
      %mul3A_195 = arith.muli %scan3A_50, %mul3A_194 : i32
      %add3A_196 = arith.constant 16384 : i32
      %add3A_197 = arith.addi %add3A_196, %mul3A_195 : i32
      %get3A_198 = arith.index_cast %add3A_197 : i32 to index
      %get3A_199 = tpu.vector_load %arg6[%get3A_198] {strides = array<i32>} : memref<32768xf32, #tpu.memory_space<vmem>>, vector<16xf32>,
      %mul3A_200 = arith.constant 16 : i32
      %mul3A_201 = arith.muli %scan3A_50, %mul3A_200 : i32
      %add3A_202 = arith.constant 18432 : i32
      %add3A_203 = arith.addi %add3A_202, %mul3A_201 : i32
      %get3A_204 = arith.index_cast %add3A_203 : i32 to index
      %get3A_205 = tpu.vector_load %arg6[%get3A_204] {strides = array<i32>} : memref<32768xf32, #tpu.memory_space<vmem>>, vector<16xf32>,
      %mul3A_206 = arith.constant 16 : i32
      %mul3A_207 = arith.muli %scan3A_50, %mul3A_206 : i32
      %add3A_208 = arith.constant 20480 : i32
      %add3A_209 = arith.addi %add3A_208, %mul3A_207 : i32
      %get3A_210 = arith.index_cast %add3A_209 : i32 to index
      %get3A_211 = tpu.vector_load %arg6[%get3A_210] {strides = array<i32>} : memref<32768xf32, #tpu.memory_space<vmem>>, vector<16xf32>,
      %mul3A_212 = arith.constant 16 : i32
      %mul3A_213 = arith.muli %scan3A_50, %mul3A_212 : i32
      %add3A_214 = arith.constant 22528 : i32
      %add3A_215 = arith.addi %add3A_214, %mul3A_213 : i32
      %get3A_216 = arith.index_cast %add3A_215 : i32 to index
      %get3A_217 = tpu.vector_load %arg6[%get3A_216] {strides = array<i32>} : memref<32768xf32, #tpu.memory_space<vmem>>, vector<16xf32>,
      %mul3A_218 = arith.constant 16 : i32
      %mul3A_219 = arith.muli %scan3A_50, %mul3A_218 : i32
      %add3A_220 = arith.constant 24576 : i32
      %add3A_221 = arith.addi %add3A_220, %mul3A_219 : i32
      %get3A_222 = arith.index_cast %add3A_221 : i32 to index
      %get3A_223 = tpu.vector_load %arg6[%get3A_222] {strides = array<i32>} : memref<32768xf32, #tpu.memory_space<vmem>>, vector<16xf32>,
      %mul3A_224 = arith.constant 16 : i32
      %mul3A_225 = arith.muli %scan3A_50, %mul3A_224 : i32
      %add3A_226 = arith.constant 26624 : i32
      %add3A_227 = arith.addi %add3A_226, %mul3A_225 : i32
      %get3A_228 = arith.index_cast %add3A_227 : i32 to index
      %get3A_229 = tpu.vector_load %arg6[%get3A_228] {strides = array<i32>} : memref<32768xf32, #tpu.memory_space<vmem>>, vector<16xf32>,
      %mul3A_230 = arith.constant 16 : i32
      %mul3A_231 = arith.muli %scan3A_50, %mul3A_230 : i32
      %add3A_232 = arith.constant 28672 : i32
      %add3A_233 = arith.addi %add3A_232, %mul3A_231 : i32
      %get3A_234 = arith.index_cast %add3A_233 : i32 to index
      %get3A_235 = tpu.vector_load %arg6[%get3A_234] {strides = array<i32>} : memref<32768xf32, #tpu.memory_space<vmem>>, vector<16xf32>,
      %mul3A_236 = arith.constant 16 : i32
      %mul3A_237 = arith.muli %scan3A_50, %mul3A_236 : i32
      %add3A_238 = arith.constant 30720 : i32
      %add3A_239 = arith.addi %add3A_238, %mul3A_237 : i32
      %get3A_240 = arith.index_cast %add3A_239 : i32 to index
      %get3A_241 = tpu.vector_load %arg6[%get3A_240] {strides = array<i32>} : memref<32768xf32, #tpu.memory_space<vmem>>, vector<16xf32>,
      %add3A_242 = arith.addf %get3A_55, %get3A_61 : vector<16xf32>
      %add3A_243 = arith.addf %get3A_67, %get3A_73 : vector<16xf32>
      %add3A_244 = arith.addf %get3A_79, %get3A_85 : vector<16xf32>
      %add3A_245 = arith.addf %get3A_91, %get3A_97 : vector<16xf32>
      %add3A_246 = arith.addf %get3A_103, %get3A_109 : vector<16xf32>
      %add3A_247 = arith.addf %get3A_115, %get3A_121 : vector<16xf32>
      %add3A_248 = arith.addf %get3A_127, %get3A_133 : vector<16xf32>
      %add3A_249 = arith.addf %get3A_139, %get3A_145 : vector<16xf32>
      %add3A_250 = arith.addf %get3A_151, %get3A_157 : vector<16xf32>
      %add3A_251 = arith.addf %get3A_163, %get3A_169 : vector<16xf32>
      %add3A_252 = arith.addf %get3A_175, %get3A_181 : vector<16xf32>
      %add3A_253 = arith.addf %get3A_187, %get3A_193 : vector<16xf32>
      %add3A_254 = arith.addf %get3A_199, %get3A_205 : vector<16xf32>
      %add3A_255 = arith.addf %get3A_211, %get3A_217 : vector<16xf32>
      %add3A_256 = arith.addf %get3A_223, %get3A_229 : vector<16xf32>
      %add3A_257 = arith.addf %get3A_235, %get3A_241 : vector<16xf32>
      %add3A_258 = arith.addf %add3A_242, %add3A_243 : vector<16xf32>
      %add3A_259 = arith.addf %add3A_244, %add3A_245 : vector<16xf32>
      %add3A_260 = arith.addf %add3A_246, %add3A_247 : vector<16xf32>
      %add3A_261 = arith.addf %add3A_248, %add3A_249 : vector<16xf32>
      %add3A_262 = arith.addf %add3A_250, %add3A_251 : vector<16xf32>
      %add3A_263 = arith.addf %add3A_252, %add3A_253 : vector<16xf32>
      %add3A_264 = arith.addf %add3A_254, %add3A_255 : vector<16xf32>
      %add3A_265 = arith.addf %add3A_256, %add3A_257 : vector<16xf32>
      %add3A_266 = arith.addf %add3A_258, %add3A_259 : vector<16xf32>
      %add3A_267 = arith.addf %add3A_260, %add3A_261 : vector<16xf32>
      %add3A_268 = arith.addf %add3A_262, %add3A_263 : vector<16xf32>
      %add3A_269 = arith.addf %add3A_264, %add3A_265 : vector<16xf32>
      %add3A_270 = arith.addf %add3A_266, %add3A_267 : vector<16xf32>
      %add3A_271 = arith.addf %add3A_268, %add3A_269 : vector<16xf32>
      %add3A_272 = arith.addf %add3A_270, %add3A_271 : vector<16xf32>
      %mul3A_273 = arith.constant 16 : i32
      %mul3A_274 = arith.muli %scan3A_50, %mul3A_273 : i32
      %swap3A = arith.index_cast %mul3A_274 : i32 to index
      %swap3A_275 = tpu.vector_load %arg8[%swap3A] {strides = array<i32>} : memref<2048xf32, #tpu.memory_space<vmem>>, vector<16xf32>,
      tpu.vector_store %arg8[%swap3A], %add3A_272 {strides = array<i32>} : memref<2048xf32, #tpu.memory_space<vmem>>, vector<16xf32>,
      %add3A_276 = arith.constant 1.000000e+00 : f32
      %add3A_277 = vector.broadcast %add3A_276 : f32 to vector<16xf32>
      %add3A_278 = arith.addf %add3A_272, %add3A_277 : vector<16xf32>
      %bitcast3A = vector.bitcast %add3A_278 : vector<16xf32> to vector<16xi32>
      %shift_right_logical3A = arith.constant 1 : i32
      %shift_right_logical3A_279 = vector.broadcast %shift_right_logical3A : i32 to vector<16xi32>
      %shift_right_logical3A_280 = arith.shrui %bitcast3A, %shift_right_logical3A_279 : vector<16xi32>
      %sub3A = arith.constant 1597463007 : i32
      %sub3A_281 = vector.broadcast %sub3A : i32 to vector<16xi32>
      %sub3A_282 = arith.subi %sub3A_281, %shift_right_logical3A_280 : vector<16xi32>
      %bitcast3A_283 = vector.bitcast %sub3A_282 : vector<16xi32> to vector<16xf32>
      %mul3A_284 = arith.constant 5.000000e-01 : f32
      %mul3A_285 = vector.broadcast %mul3A_284 : f32 to vector<16xf32>
      %mul3A_286 = arith.mulf %mul3A_285, %add3A_278 : vector<16xf32>
      %mul3A_287 = arith.mulf %mul3A_286, %bitcast3A_283 : vector<16xf32>
      %mul3A_288 = arith.mulf %mul3A_287, %bitcast3A_283 : vector<16xf32>
      %sub3A_289 = arith.constant 1.500000e+00 : f32
      %sub3A_290 = vector.broadcast %sub3A_289 : f32 to vector<16xf32>
      %sub3A_291 = arith.subf %sub3A_290, %mul3A_288 : vector<16xf32>
      %mul3A_292 = arith.mulf %bitcast3A_283, %sub3A_291 : vector<16xf32>
      %mul3A_293 = arith.constant 5.000000e-01 : f32
      %mul3A_294 = vector.broadcast %mul3A_293 : f32 to vector<16xf32>
      %mul3A_295 = arith.mulf %mul3A_294, %add3A_278 : vector<16xf32>
      %mul3A_296 = arith.mulf %mul3A_295, %mul3A_292 : vector<16xf32>
      %mul3A_297 = arith.mulf %mul3A_296, %mul3A_292 : vector<16xf32>
      %sub3A_298 = arith.constant 1.500000e+00 : f32
      %sub3A_299 = vector.broadcast %sub3A_298 : f32 to vector<16xf32>
      %sub3A_300 = arith.subf %sub3A_299, %mul3A_297 : vector<16xf32>
      %mul3A_301 = arith.mulf %mul3A_292, %sub3A_300 : vector<16xf32>
      %mul3A_302 = arith.constant 16 : i32
      %mul3A_303 = arith.muli %scan3A_50, %mul3A_302 : i32
      %swap3A_304 = arith.index_cast %mul3A_303 : i32 to index
      %swap3A_305 = tpu.vector_load %arg7[%swap3A_304] {strides = array<i32>} : memref<2048xf32, #tpu.memory_space<vmem>>, vector<16xf32>,
      tpu.vector_store %arg7[%swap3A_304], %mul3A_301 {strides = array<i32>} : memref<2048xf32, #tpu.memory_space<vmem>>, vector<16xf32>,
    }
    %scan3A_37 = arith.constant 128 : i32
    %scan3A_38 = arith.constant 0 : i32
    %scan3A_39 = arith.constant 0 : i32
    %scan3A_40 = arith.constant 32 : i32
    %scan3A_41 = arith.addi %scan3A_39, %scan3A_40 : i32
    %scan3A_42 = arith.constant 1 : i32
    scf.for %scan3A_50 = %scan3A_39 to %scan3A_41 step %scan3A_42  : i32 {
      %mul3A_51 = arith.constant 512 : i32
      %mul3A_52 = arith.muli %scan3A_50, %mul3A_51 : i32
      %add3A_53 = arith.constant 0 : i32
      %add3A_54 = arith.addi %mul3A_52, %add3A_53 : i32
      %get3A = arith.constant 0 : i32
      %get3A_55 = arith.index_cast %get3A : i32 to index
      %get3A_56 = arith.index_cast %add3A_54 : i32 to index
      %get3A_57 = tpu.vector_load %arg4[%get3A_55, %get3A_56] {strides = array<i32>} : memref<2x16384xi32, #tpu.memory_space<vmem>>, vector<16xi32>,
      %get3A_58 = arith.constant 1 : i32
      %get3A_59 = arith.index_cast %get3A_58 : i32 to index
      %get3A_60 = arith.index_cast %add3A_54 : i32 to index
      %get3A_61 = tpu.vector_load %arg4[%get3A_59, %get3A_60] {strides = array<i32>} : memref<2x16384xi32, #tpu.memory_space<vmem>>, vector<16xi32>,
      %gather3A = tpu.vector_load_idx %arg7[%get3A_61] : memref<2048xf32, #tpu.memory_space<vmem>>[vector<16xi32>], vector<16xf32>,
      %add3A_62 = arith.addi %mul3A_10, %get3A_57 : vector<16xi32>
      tpu.vector_store_idx %arg5[%add3A_62], %gather3A {add = true} : memref<32768xf32, #tpu.memory_space<vmem>>[vector<16xi32>], vector<16xf32>,
      %mul3A_63 = arith.constant 512 : i32
      %mul3A_64 = arith.muli %scan3A_50, %mul3A_63 : i32
      %add3A_65 = arith.constant 16 : i32
      %add3A_66 = arith.addi %mul3A_64, %add3A_65 : i32
      %get3A_67 = arith.constant 0 : i32
      %get3A_68 = arith.index_cast %get3A_67 : i32 to index
      %get3A_69 = arith.index_cast %add3A_66 : i32 to index
      %get3A_70 = tpu.vector_load %arg4[%get3A_68, %get3A_69] {strides = array<i32>} : memref<2x16384xi32, #tpu.memory_space<vmem>>, vector<16xi32>,
      %get3A_71 = arith.constant 1 : i32
      %get3A_72 = arith.index_cast %get3A_71 : i32 to index
      %get3A_73 = arith.index_cast %add3A_66 : i32 to index
      %get3A_74 = tpu.vector_load %arg4[%get3A_72, %get3A_73] {strides = array<i32>} : memref<2x16384xi32, #tpu.memory_space<vmem>>, vector<16xi32>,
      %gather3A_75 = tpu.vector_load_idx %arg7[%get3A_74] : memref<2048xf32, #tpu.memory_space<vmem>>[vector<16xi32>], vector<16xf32>,
      %add3A_76 = arith.addi %mul3A_10, %get3A_70 : vector<16xi32>
      tpu.vector_store_idx %arg6[%add3A_76], %gather3A_75 {add = true} : memref<32768xf32, #tpu.memory_space<vmem>>[vector<16xi32>], vector<16xf32>,
      %mul3A_77 = arith.constant 512 : i32
      %mul3A_78 = arith.muli %scan3A_50, %mul3A_77 : i32
      %add3A_79 = arith.constant 32 : i32
      %add3A_80 = arith.addi %mul3A_78, %add3A_79 : i32
      %get3A_81 = arith.constant 0 : i32
      %get3A_82 = arith.index_cast %get3A_81 : i32 to index
      %get3A_83 = arith.index_cast %add3A_80 : i32 to index
      %get3A_84 = tpu.vector_load %arg4[%get3A_82, %get3A_83] {strides = array<i32>} : memref<2x16384xi32, #tpu.memory_space<vmem>>, vector<16xi32>,
      %get3A_85 = arith.constant 1 : i32
      %get3A_86 = arith.index_cast %get3A_85 : i32 to index
      %get3A_87 = arith.index_cast %add3A_80 : i32 to index
      %get3A_88 = tpu.vector_load %arg4[%get3A_86, %get3A_87] {strides = array<i32>} : memref<2x16384xi32, #tpu.memory_space<vmem>>, vector<16xi32>,
      %gather3A_89 = tpu.vector_load_idx %arg7[%get3A_88] : memref<2048xf32, #tpu.memory_space<vmem>>[vector<16xi32>], vector<16xf32>,
      %add3A_90 = arith.addi %mul3A_10, %get3A_84 : vector<16xi32>
      tpu.vector_store_idx %arg5[%add3A_90], %gather3A_89 {add = true} : memref<32768xf32, #tpu.memory_space<vmem>>[vector<16xi32>], vector<16xf32>,
      %mul3A_91 = arith.constant 512 : i32
      %mul3A_92 = arith.muli %scan3A_50, %mul3A_91 : i32
      %add3A_93 = arith.constant 48 : i32
      %add3A_94 = arith.addi %mul3A_92, %add3A_93 : i32
      %get3A_95 = arith.constant 0 : i32
      %get3A_96 = arith.index_cast %get3A_95 : i32 to index
      %get3A_97 = arith.index_cast %add3A_94 : i32 to index
      %get3A_98 = tpu.vector_load %arg4[%get3A_96, %get3A_97] {strides = array<i32>} : memref<2x16384xi32, #tpu.memory_space<vmem>>, vector<16xi32>,
      %get3A_99 = arith.constant 1 : i32
      %get3A_100 = arith.index_cast %get3A_99 : i32 to index
      %get3A_101 = arith.index_cast %add3A_94 : i32 to index
      %get3A_102 = tpu.vector_load %arg4[%get3A_100, %get3A_101] {strides = array<i32>} : memref<2x16384xi32, #tpu.memory_space<vmem>>, vector<16xi32>,
      %gather3A_103 = tpu.vector_load_idx %arg7[%get3A_102] : memref<2048xf32, #tpu.memory_space<vmem>>[vector<16xi32>], vector<16xf32>,
      %add3A_104 = arith.addi %mul3A_10, %get3A_98 : vector<16xi32>
      tpu.vector_store_idx %arg6[%add3A_104], %gather3A_103 {add = true} : memref<32768xf32, #tpu.memory_space<vmem>>[vector<16xi32>], vector<16xf32>,
      %mul3A_105 = arith.constant 512 : i32
      %mul3A_106 = arith.muli %scan3A_50, %mul3A_105 : i32
      %add3A_107 = arith.constant 64 : i32
      %add3A_108 = arith.addi %mul3A_106, %add3A_107 : i32
      %get3A_109 = arith.constant 0 : i32
      %get3A_110 = arith.index_cast %get3A_109 : i32 to index
      %get3A_111 = arith.index_cast %add3A_108 : i32 to index
      %get3A_112 = tpu.vector_load %arg4[%get3A_110, %get3A_111] {strides = array<i32>} : memref<2x16384xi32, #tpu.memory_space<vmem>>, vector<16xi32>,
      %get3A_113 = arith.constant 1 : i32
      %get3A_114 = arith.index_cast %get3A_113 : i32 to index
      %get3A_115 = arith.index_cast %add3A_108 : i32 to index
      %get3A_116 = tpu.vector_load %arg4[%get3A_114, %get3A_115] {strides = array<i32>} : memref<2x16384xi32, #tpu.memory_space<vmem>>, vector<16xi32>,
      %gather3A_117 = tpu.vector_load_idx %arg7[%get3A_116] : memref<2048xf32, #tpu.memory_space<vmem>>[vector<16xi32>], vector<16xf32>,
      %add3A_118 = arith.addi %mul3A_10, %get3A_112 : vector<16xi32>
      tpu.vector_store_idx %arg5[%add3A_118], %gather3A_117 {add = true} : memref<32768xf32, #tpu.memory_space<vmem>>[vector<16xi32>], vector<16xf32>,
      %mul3A_119 = arith.constant 512 : i32
      %mul3A_120 = arith.muli %scan3A_50, %mul3A_119 : i32
      %add3A_121 = arith.constant 80 : i32
      %add3A_122 = arith.addi %mul3A_120, %add3A_121 : i32
      %get3A_123 = arith.constant 0 : i32
      %get3A_124 = arith.index_cast %get3A_123 : i32 to index
      %get3A_125 = arith.index_cast %add3A_122 : i32 to index
      %get3A_126 = tpu.vector_load %arg4[%get3A_124, %get3A_125] {strides = array<i32>} : memref<2x16384xi32, #tpu.memory_space<vmem>>, vector<16xi32>,
      %get3A_127 = arith.constant 1 : i32
      %get3A_128 = arith.index_cast %get3A_127 : i32 to index
      %get3A_129 = arith.index_cast %add3A_122 : i32 to index
      %get3A_130 = tpu.vector_load %arg4[%get3A_128, %get3A_129] {strides = array<i32>} : memref<2x16384xi32, #tpu.memory_space<vmem>>, vector<16xi32>,
      %gather3A_131 = tpu.vector_load_idx %arg7[%get3A_130] : memref<2048xf32, #tpu.memory_space<vmem>>[vector<16xi32>], vector<16xf32>,
      %add3A_132 = arith.addi %mul3A_10, %get3A_126 : vector<16xi32>
      tpu.vector_store_idx %arg6[%add3A_132], %gather3A_131 {add = true} : memref<32768xf32, #tpu.memory_space<vmem>>[vector<16xi32>], vector<16xf32>,
      %mul3A_133 = arith.constant 512 : i32
      %mul3A_134 = arith.muli %scan3A_50, %mul3A_133 : i32
      %add3A_135 = arith.constant 96 : i32
      %add3A_136 = arith.addi %mul3A_134, %add3A_135 : i32
      %get3A_137 = arith.constant 0 : i32
      %get3A_138 = arith.index_cast %get3A_137 : i32 to index
      %get3A_139 = arith.index_cast %add3A_136 : i32 to index
      %get3A_140 = tpu.vector_load %arg4[%get3A_138, %get3A_139] {strides = array<i32>} : memref<2x16384xi32, #tpu.memory_space<vmem>>, vector<16xi32>,
      %get3A_141 = arith.constant 1 : i32
      %get3A_142 = arith.index_cast %get3A_141 : i32 to index
      %get3A_143 = arith.index_cast %add3A_136 : i32 to index
      %get3A_144 = tpu.vector_load %arg4[%get3A_142, %get3A_143] {strides = array<i32>} : memref<2x16384xi32, #tpu.memory_space<vmem>>, vector<16xi32>,
      %gather3A_145 = tpu.vector_load_idx %arg7[%get3A_144] : memref<2048xf32, #tpu.memory_space<vmem>>[vector<16xi32>], vector<16xf32>,
      %add3A_146 = arith.addi %mul3A_10, %get3A_140 : vector<16xi32>
      tpu.vector_store_idx %arg5[%add3A_146], %gather3A_145 {add = true} : memref<32768xf32, #tpu.memory_space<vmem>>[vector<16xi32>], vector<16xf32>,
      %mul3A_147 = arith.constant 512 : i32
      %mul3A_148 = arith.muli %scan3A_50, %mul3A_147 : i32
      %add3A_149 = arith.constant 112 : i32
      %add3A_150 = arith.addi %mul3A_148, %add3A_149 : i32
      %get3A_151 = arith.constant 0 : i32
      %get3A_152 = arith.index_cast %get3A_151 : i32 to index
      %get3A_153 = arith.index_cast %add3A_150 : i32 to index
      %get3A_154 = tpu.vector_load %arg4[%get3A_152, %get3A_153] {strides = array<i32>} : memref<2x16384xi32, #tpu.memory_space<vmem>>, vector<16xi32>,
      %get3A_155 = arith.constant 1 : i32
      %get3A_156 = arith.index_cast %get3A_155 : i32 to index
      %get3A_157 = arith.index_cast %add3A_150 : i32 to index
      %get3A_158 = tpu.vector_load %arg4[%get3A_156, %get3A_157] {strides = array<i32>} : memref<2x16384xi32, #tpu.memory_space<vmem>>, vector<16xi32>,
      %gather3A_159 = tpu.vector_load_idx %arg7[%get3A_158] : memref<2048xf32, #tpu.memory_space<vmem>>[vector<16xi32>], vector<16xf32>,
      %add3A_160 = arith.addi %mul3A_10, %get3A_154 : vector<16xi32>
      tpu.vector_store_idx %arg6[%add3A_160], %gather3A_159 {add = true} : memref<32768xf32, #tpu.memory_space<vmem>>[vector<16xi32>], vector<16xf32>,
      %mul3A_161 = arith.constant 512 : i32
      %mul3A_162 = arith.muli %scan3A_50, %mul3A_161 : i32
      %add3A_163 = arith.constant 128 : i32
      %add3A_164 = arith.addi %mul3A_162, %add3A_163 : i32
      %get3A_165 = arith.constant 0 : i32
      %get3A_166 = arith.index_cast %get3A_165 : i32 to index
      %get3A_167 = arith.index_cast %add3A_164 : i32 to index
      %get3A_168 = tpu.vector_load %arg4[%get3A_166, %get3A_167] {strides = array<i32>} : memref<2x16384xi32, #tpu.memory_space<vmem>>, vector<16xi32>,
      %get3A_169 = arith.constant 1 : i32
      %get3A_170 = arith.index_cast %get3A_169 : i32 to index
      %get3A_171 = arith.index_cast %add3A_164 : i32 to index
      %get3A_172 = tpu.vector_load %arg4[%get3A_170, %get3A_171] {strides = array<i32>} : memref<2x16384xi32, #tpu.memory_space<vmem>>, vector<16xi32>,
      %gather3A_173 = tpu.vector_load_idx %arg7[%get3A_172] : memref<2048xf32, #tpu.memory_space<vmem>>[vector<16xi32>], vector<16xf32>,
      %add3A_174 = arith.addi %mul3A_10, %get3A_168 : vector<16xi32>
      tpu.vector_store_idx %arg5[%add3A_174], %gather3A_173 {add = true} : memref<32768xf32, #tpu.memory_space<vmem>>[vector<16xi32>], vector<16xf32>,
      %mul3A_175 = arith.constant 512 : i32
      %mul3A_176 = arith.muli %scan3A_50, %mul3A_175 : i32
      %add3A_177 = arith.constant 144 : i32
      %add3A_178 = arith.addi %mul3A_176, %add3A_177 : i32
      %get3A_179 = arith.constant 0 : i32
      %get3A_180 = arith.index_cast %get3A_179 : i32 to index
      %get3A_181 = arith.index_cast %add3A_178 : i32 to index
      %get3A_182 = tpu.vector_load %arg4[%get3A_180, %get3A_181] {strides = array<i32>} : memref<2x16384xi32, #tpu.memory_space<vmem>>, vector<16xi32>,
      %get3A_183 = arith.constant 1 : i32
      %get3A_184 = arith.index_cast %get3A_183 : i32 to index
      %get3A_185 = arith.index_cast %add3A_178 : i32 to index
      %get3A_186 = tpu.vector_load %arg4[%get3A_184, %get3A_185] {strides = array<i32>} : memref<2x16384xi32, #tpu.memory_space<vmem>>, vector<16xi32>,
      %gather3A_187 = tpu.vector_load_idx %arg7[%get3A_186] : memref<2048xf32, #tpu.memory_space<vmem>>[vector<16xi32>], vector<16xf32>,
      %add3A_188 = arith.addi %mul3A_10, %get3A_182 : vector<16xi32>
      tpu.vector_store_idx %arg6[%add3A_188], %gather3A_187 {add = true} : memref<32768xf32, #tpu.memory_space<vmem>>[vector<16xi32>], vector<16xf32>,
      %mul3A_189 = arith.constant 512 : i32
      %mul3A_190 = arith.muli %scan3A_50, %mul3A_189 : i32
      %add3A_191 = arith.constant 160 : i32
      %add3A_192 = arith.addi %mul3A_190, %add3A_191 : i32
      %get3A_193 = arith.constant 0 : i32
      %get3A_194 = arith.index_cast %get3A_193 : i32 to index
      %get3A_195 = arith.index_cast %add3A_192 : i32 to index
      %get3A_196 = tpu.vector_load %arg4[%get3A_194, %get3A_195] {strides = array<i32>} : memref<2x16384xi32, #tpu.memory_space<vmem>>, vector<16xi32>,
      %get3A_197 = arith.constant 1 : i32
      %get3A_198 = arith.index_cast %get3A_197 : i32 to index
      %get3A_199 = arith.index_cast %add3A_192 : i32 to index
      %get3A_200 = tpu.vector_load %arg4[%get3A_198, %get3A_199] {strides = array<i32>} : memref<2x16384xi32, #tpu.memory_space<vmem>>, vector<16xi32>,
      %gather3A_201 = tpu.vector_load_idx %arg7[%get3A_200] : memref<2048xf32, #tpu.memory_space<vmem>>[vector<16xi32>], vector<16xf32>,
      %add3A_202 = arith.addi %mul3A_10, %get3A_196 : vector<16xi32>
      tpu.vector_store_idx %arg5[%add3A_202], %gather3A_201 {add = true} : memref<32768xf32, #tpu.memory_space<vmem>>[vector<16xi32>], vector<16xf32>,
      %mul3A_203 = arith.constant 512 : i32
      %mul3A_204 = arith.muli %scan3A_50, %mul3A_203 : i32
      %add3A_205 = arith.constant 176 : i32
      %add3A_206 = arith.addi %mul3A_204, %add3A_205 : i32
      %get3A_207 = arith.constant 0 : i32
      %get3A_208 = arith.index_cast %get3A_207 : i32 to index
      %get3A_209 = arith.index_cast %add3A_206 : i32 to index
      %get3A_210 = tpu.vector_load %arg4[%get3A_208, %get3A_209] {strides = array<i32>} : memref<2x16384xi32, #tpu.memory_space<vmem>>, vector<16xi32>,
      %get3A_211 = arith.constant 1 : i32
      %get3A_212 = arith.index_cast %get3A_211 : i32 to index
      %get3A_213 = arith.index_cast %add3A_206 : i32 to index
      %get3A_214 = tpu.vector_load %arg4[%get3A_212, %get3A_213] {strides = array<i32>} : memref<2x16384xi32, #tpu.memory_space<vmem>>, vector<16xi32>,
      %gather3A_215 = tpu.vector_load_idx %arg7[%get3A_214] : memref<2048xf32, #tpu.memory_space<vmem>>[vector<16xi32>], vector<16xf32>,
      %add3A_216 = arith.addi %mul3A_10, %get3A_210 : vector<16xi32>
      tpu.vector_store_idx %arg6[%add3A_216], %gather3A_215 {add = true} : memref<32768xf32, #tpu.memory_space<vmem>>[vector<16xi32>], vector<16xf32>,
      %mul3A_217 = arith.constant 512 : i32
      %mul3A_218 = arith.muli %scan3A_50, %mul3A_217 : i32
      %add3A_219 = arith.constant 192 : i32
      %add3A_220 = arith.addi %mul3A_218, %add3A_219 : i32
      %get3A_221 = arith.constant 0 : i32
      %get3A_222 = arith.index_cast %get3A_221 : i32 to index
      %get3A_223 = arith.index_cast %add3A_220 : i32 to index
      %get3A_224 = tpu.vector_load %arg4[%get3A_222, %get3A_223] {strides = array<i32>} : memref<2x16384xi32, #tpu.memory_space<vmem>>, vector<16xi32>,
      %get3A_225 = arith.constant 1 : i32
      %get3A_226 = arith.index_cast %get3A_225 : i32 to index
      %get3A_227 = arith.index_cast %add3A_220 : i32 to index
      %get3A_228 = tpu.vector_load %arg4[%get3A_226, %get3A_227] {strides = array<i32>} : memref<2x16384xi32, #tpu.memory_space<vmem>>, vector<16xi32>,
      %gather3A_229 = tpu.vector_load_idx %arg7[%get3A_228] : memref<2048xf32, #tpu.memory_space<vmem>>[vector<16xi32>], vector<16xf32>,
      %add3A_230 = arith.addi %mul3A_10, %get3A_224 : vector<16xi32>
      tpu.vector_store_idx %arg5[%add3A_230], %gather3A_229 {add = true} : memref<32768xf32, #tpu.memory_space<vmem>>[vector<16xi32>], vector<16xf32>,
      %mul3A_231 = arith.constant 512 : i32
      %mul3A_232 = arith.muli %scan3A_50, %mul3A_231 : i32
      %add3A_233 = arith.constant 208 : i32
      %add3A_234 = arith.addi %mul3A_232, %add3A_233 : i32
      %get3A_235 = arith.constant 0 : i32
      %get3A_236 = arith.index_cast %get3A_235 : i32 to index
      %get3A_237 = arith.index_cast %add3A_234 : i32 to index
      %get3A_238 = tpu.vector_load %arg4[%get3A_236, %get3A_237] {strides = array<i32>} : memref<2x16384xi32, #tpu.memory_space<vmem>>, vector<16xi32>,
      %get3A_239 = arith.constant 1 : i32
      %get3A_240 = arith.index_cast %get3A_239 : i32 to index
      %get3A_241 = arith.index_cast %add3A_234 : i32 to index
      %get3A_242 = tpu.vector_load %arg4[%get3A_240, %get3A_241] {strides = array<i32>} : memref<2x16384xi32, #tpu.memory_space<vmem>>, vector<16xi32>,
      %gather3A_243 = tpu.vector_load_idx %arg7[%get3A_242] : memref<2048xf32, #tpu.memory_space<vmem>>[vector<16xi32>], vector<16xf32>,
      %add3A_244 = arith.addi %mul3A_10, %get3A_238 : vector<16xi32>
      tpu.vector_store_idx %arg6[%add3A_244], %gather3A_243 {add = true} : memref<32768xf32, #tpu.memory_space<vmem>>[vector<16xi32>], vector<16xf32>,
      %mul3A_245 = arith.constant 512 : i32
      %mul3A_246 = arith.muli %scan3A_50, %mul3A_245 : i32
      %add3A_247 = arith.constant 224 : i32
      %add3A_248 = arith.addi %mul3A_246, %add3A_247 : i32
      %get3A_249 = arith.constant 0 : i32
      %get3A_250 = arith.index_cast %get3A_249 : i32 to index
      %get3A_251 = arith.index_cast %add3A_248 : i32 to index
      %get3A_252 = tpu.vector_load %arg4[%get3A_250, %get3A_251] {strides = array<i32>} : memref<2x16384xi32, #tpu.memory_space<vmem>>, vector<16xi32>,
      %get3A_253 = arith.constant 1 : i32
      %get3A_254 = arith.index_cast %get3A_253 : i32 to index
      %get3A_255 = arith.index_cast %add3A_248 : i32 to index
      %get3A_256 = tpu.vector_load %arg4[%get3A_254, %get3A_255] {strides = array<i32>} : memref<2x16384xi32, #tpu.memory_space<vmem>>, vector<16xi32>,
      %gather3A_257 = tpu.vector_load_idx %arg7[%get3A_256] : memref<2048xf32, #tpu.memory_space<vmem>>[vector<16xi32>], vector<16xf32>,
      %add3A_258 = arith.addi %mul3A_10, %get3A_252 : vector<16xi32>
      tpu.vector_store_idx %arg5[%add3A_258], %gather3A_257 {add = true} : memref<32768xf32, #tpu.memory_space<vmem>>[vector<16xi32>], vector<16xf32>,
      %mul3A_259 = arith.constant 512 : i32
      %mul3A_260 = arith.muli %scan3A_50, %mul3A_259 : i32
      %add3A_261 = arith.constant 240 : i32
      %add3A_262 = arith.addi %mul3A_260, %add3A_261 : i32
      %get3A_263 = arith.constant 0 : i32
      %get3A_264 = arith.index_cast %get3A_263 : i32 to index
      %get3A_265 = arith.index_cast %add3A_262 : i32 to index
      %get3A_266 = tpu.vector_load %arg4[%get3A_264, %get3A_265] {strides = array<i32>} : memref<2x16384xi32, #tpu.memory_space<vmem>>, vector<16xi32>,
      %get3A_267 = arith.constant 1 : i32
      %get3A_268 = arith.index_cast %get3A_267 : i32 to index
      %get3A_269 = arith.index_cast %add3A_262 : i32 to index
      %get3A_270 = tpu.vector_load %arg4[%get3A_268, %get3A_269] {strides = array<i32>} : memref<2x16384xi32, #tpu.memory_space<vmem>>, vector<16xi32>,
      %gather3A_271 = tpu.vector_load_idx %arg7[%get3A_270] : memref<2048xf32, #tpu.memory_space<vmem>>[vector<16xi32>], vector<16xf32>,
      %add3A_272 = arith.addi %mul3A_10, %get3A_266 : vector<16xi32>
      tpu.vector_store_idx %arg6[%add3A_272], %gather3A_271 {add = true} : memref<32768xf32, #tpu.memory_space<vmem>>[vector<16xi32>], vector<16xf32>,
      %mul3A_273 = arith.constant 512 : i32
      %mul3A_274 = arith.muli %scan3A_50, %mul3A_273 : i32
      %add3A_275 = arith.constant 256 : i32
      %add3A_276 = arith.addi %mul3A_274, %add3A_275 : i32
      %get3A_277 = arith.constant 0 : i32
      %get3A_278 = arith.index_cast %get3A_277 : i32 to index
      %get3A_279 = arith.index_cast %add3A_276 : i32 to index
      %get3A_280 = tpu.vector_load %arg4[%get3A_278, %get3A_279] {strides = array<i32>} : memref<2x16384xi32, #tpu.memory_space<vmem>>, vector<16xi32>,
      %get3A_281 = arith.constant 1 : i32
      %get3A_282 = arith.index_cast %get3A_281 : i32 to index
      %get3A_283 = arith.index_cast %add3A_276 : i32 to index
      %get3A_284 = tpu.vector_load %arg4[%get3A_282, %get3A_283] {strides = array<i32>} : memref<2x16384xi32, #tpu.memory_space<vmem>>, vector<16xi32>,
      %gather3A_285 = tpu.vector_load_idx %arg7[%get3A_284] : memref<2048xf32, #tpu.memory_space<vmem>>[vector<16xi32>], vector<16xf32>,
      %add3A_286 = arith.addi %mul3A_10, %get3A_280 : vector<16xi32>
      tpu.vector_store_idx %arg5[%add3A_286], %gather3A_285 {add = true} : memref<32768xf32, #tpu.memory_space<vmem>>[vector<16xi32>], vector<16xf32>,
      %mul3A_287 = arith.constant 512 : i32
      %mul3A_288 = arith.muli %scan3A_50, %mul3A_287 : i32
      %add3A_289 = arith.constant 272 : i32
      %add3A_290 = arith.addi %mul3A_288, %add3A_289 : i32
      %get3A_291 = arith.constant 0 : i32
      %get3A_292 = arith.index_cast %get3A_291 : i32 to index
      %get3A_293 = arith.index_cast %add3A_290 : i32 to index
      %get3A_294 = tpu.vector_load %arg4[%get3A_292, %get3A_293] {strides = array<i32>} : memref<2x16384xi32, #tpu.memory_space<vmem>>, vector<16xi32>,
      %get3A_295 = arith.constant 1 : i32
      %get3A_296 = arith.index_cast %get3A_295 : i32 to index
      %get3A_297 = arith.index_cast %add3A_290 : i32 to index
      %get3A_298 = tpu.vector_load %arg4[%get3A_296, %get3A_297] {strides = array<i32>} : memref<2x16384xi32, #tpu.memory_space<vmem>>, vector<16xi32>,
      %gather3A_299 = tpu.vector_load_idx %arg7[%get3A_298] : memref<2048xf32, #tpu.memory_space<vmem>>[vector<16xi32>], vector<16xf32>,
      %add3A_300 = arith.addi %mul3A_10, %get3A_294 : vector<16xi32>
      tpu.vector_store_idx %arg6[%add3A_300], %gather3A_299 {add = true} : memref<32768xf32, #tpu.memory_space<vmem>>[vector<16xi32>], vector<16xf32>,
      %mul3A_301 = arith.constant 512 : i32
      %mul3A_302 = arith.muli %scan3A_50, %mul3A_301 : i32
      %add3A_303 = arith.constant 288 : i32
      %add3A_304 = arith.addi %mul3A_302, %add3A_303 : i32
      %get3A_305 = arith.constant 0 : i32
      %get3A_306 = arith.index_cast %get3A_305 : i32 to index
      %get3A_307 = arith.index_cast %add3A_304 : i32 to index
      %get3A_308 = tpu.vector_load %arg4[%get3A_306, %get3A_307] {strides = array<i32>} : memref<2x16384xi32, #tpu.memory_space<vmem>>, vector<16xi32>,
      %get3A_309 = arith.constant 1 : i32
      %get3A_310 = arith.index_cast %get3A_309 : i32 to index
      %get3A_311 = arith.index_cast %add3A_304 : i32 to index
      %get3A_312 = tpu.vector_load %arg4[%get3A_310, %get3A_311] {strides = array<i32>} : memref<2x16384xi32, #tpu.memory_space<vmem>>, vector<16xi32>,
      %gather3A_313 = tpu.vector_load_idx %arg7[%get3A_312] : memref<2048xf32, #tpu.memory_space<vmem>>[vector<16xi32>], vector<16xf32>,
      %add3A_314 = arith.addi %mul3A_10, %get3A_308 : vector<16xi32>
      tpu.vector_store_idx %arg5[%add3A_314], %gather3A_313 {add = true} : memref<32768xf32, #tpu.memory_space<vmem>>[vector<16xi32>], vector<16xf32>,
      %mul3A_315 = arith.constant 512 : i32
      %mul3A_316 = arith.muli %scan3A_50, %mul3A_315 : i32
      %add3A_317 = arith.constant 304 : i32
      %add3A_318 = arith.addi %mul3A_316, %add3A_317 : i32
      %get3A_319 = arith.constant 0 : i32
      %get3A_320 = arith.index_cast %get3A_319 : i32 to index
      %get3A_321 = arith.index_cast %add3A_318 : i32 to index
      %get3A_322 = tpu.vector_load %arg4[%get3A_320, %get3A_321] {strides = array<i32>} : memref<2x16384xi32, #tpu.memory_space<vmem>>, vector<16xi32>,
      %get3A_323 = arith.constant 1 : i32
      %get3A_324 = arith.index_cast %get3A_323 : i32 to index
      %get3A_325 = arith.index_cast %add3A_318 : i32 to index
      %get3A_326 = tpu.vector_load %arg4[%get3A_324, %get3A_325] {strides = array<i32>} : memref<2x16384xi32, #tpu.memory_space<vmem>>, vector<16xi32>,
      %gather3A_327 = tpu.vector_load_idx %arg7[%get3A_326] : memref<2048xf32, #tpu.memory_space<vmem>>[vector<16xi32>], vector<16xf32>,
      %add3A_328 = arith.addi %mul3A_10, %get3A_322 : vector<16xi32>
      tpu.vector_store_idx %arg6[%add3A_328], %gather3A_327 {add = true} : memref<32768xf32, #tpu.memory_space<vmem>>[vector<16xi32>], vector<16xf32>,
      %mul3A_329 = arith.constant 512 : i32
      %mul3A_330 = arith.muli %scan3A_50, %mul3A_329 : i32
      %add3A_331 = arith.constant 320 : i32
      %add3A_332 = arith.addi %mul3A_330, %add3A_331 : i32
      %get3A_333 = arith.constant 0 : i32
      %get3A_334 = arith.index_cast %get3A_333 : i32 to index
      %get3A_335 = arith.index_cast %add3A_332 : i32 to index
      %get3A_336 = tpu.vector_load %arg4[%get3A_334, %get3A_335] {strides = array<i32>} : memref<2x16384xi32, #tpu.memory_space<vmem>>, vector<16xi32>,
      %get3A_337 = arith.constant 1 : i32
      %get3A_338 = arith.index_cast %get3A_337 : i32 to index
      %get3A_339 = arith.index_cast %add3A_332 : i32 to index
      %get3A_340 = tpu.vector_load %arg4[%get3A_338, %get3A_339] {strides = array<i32>} : memref<2x16384xi32, #tpu.memory_space<vmem>>, vector<16xi32>,
      %gather3A_341 = tpu.vector_load_idx %arg7[%get3A_340] : memref<2048xf32, #tpu.memory_space<vmem>>[vector<16xi32>], vector<16xf32>,
      %add3A_342 = arith.addi %mul3A_10, %get3A_336 : vector<16xi32>
      tpu.vector_store_idx %arg5[%add3A_342], %gather3A_341 {add = true} : memref<32768xf32, #tpu.memory_space<vmem>>[vector<16xi32>], vector<16xf32>,
      %mul3A_343 = arith.constant 512 : i32
      %mul3A_344 = arith.muli %scan3A_50, %mul3A_343 : i32
      %add3A_345 = arith.constant 336 : i32
      %add3A_346 = arith.addi %mul3A_344, %add3A_345 : i32
      %get3A_347 = arith.constant 0 : i32
      %get3A_348 = arith.index_cast %get3A_347 : i32 to index
      %get3A_349 = arith.index_cast %add3A_346 : i32 to index
      %get3A_350 = tpu.vector_load %arg4[%get3A_348, %get3A_349] {strides = array<i32>} : memref<2x16384xi32, #tpu.memory_space<vmem>>, vector<16xi32>,
      %get3A_351 = arith.constant 1 : i32
      %get3A_352 = arith.index_cast %get3A_351 : i32 to index
      %get3A_353 = arith.index_cast %add3A_346 : i32 to index
      %get3A_354 = tpu.vector_load %arg4[%get3A_352, %get3A_353] {strides = array<i32>} : memref<2x16384xi32, #tpu.memory_space<vmem>>, vector<16xi32>,
      %gather3A_355 = tpu.vector_load_idx %arg7[%get3A_354] : memref<2048xf32, #tpu.memory_space<vmem>>[vector<16xi32>], vector<16xf32>,
      %add3A_356 = arith.addi %mul3A_10, %get3A_350 : vector<16xi32>
      tpu.vector_store_idx %arg6[%add3A_356], %gather3A_355 {add = true} : memref<32768xf32, #tpu.memory_space<vmem>>[vector<16xi32>], vector<16xf32>,
      %mul3A_357 = arith.constant 512 : i32
      %mul3A_358 = arith.muli %scan3A_50, %mul3A_357 : i32
      %add3A_359 = arith.constant 352 : i32
      %add3A_360 = arith.addi %mul3A_358, %add3A_359 : i32
      %get3A_361 = arith.constant 0 : i32
      %get3A_362 = arith.index_cast %get3A_361 : i32 to index
      %get3A_363 = arith.index_cast %add3A_360 : i32 to index
      %get3A_364 = tpu.vector_load %arg4[%get3A_362, %get3A_363] {strides = array<i32>} : memref<2x16384xi32, #tpu.memory_space<vmem>>, vector<16xi32>,
      %get3A_365 = arith.constant 1 : i32
      %get3A_366 = arith.index_cast %get3A_365 : i32 to index
      %get3A_367 = arith.index_cast %add3A_360 : i32 to index
      %get3A_368 = tpu.vector_load %arg4[%get3A_366, %get3A_367] {strides = array<i32>} : memref<2x16384xi32, #tpu.memory_space<vmem>>, vector<16xi32>,
      %gather3A_369 = tpu.vector_load_idx %arg7[%get3A_368] : memref<2048xf32, #tpu.memory_space<vmem>>[vector<16xi32>], vector<16xf32>,
      %add3A_370 = arith.addi %mul3A_10, %get3A_364 : vector<16xi32>
      tpu.vector_store_idx %arg5[%add3A_370], %gather3A_369 {add = true} : memref<32768xf32, #tpu.memory_space<vmem>>[vector<16xi32>], vector<16xf32>,
      %mul3A_371 = arith.constant 512 : i32
      %mul3A_372 = arith.muli %scan3A_50, %mul3A_371 : i32
      %add3A_373 = arith.constant 368 : i32
      %add3A_374 = arith.addi %mul3A_372, %add3A_373 : i32
      %get3A_375 = arith.constant 0 : i32
      %get3A_376 = arith.index_cast %get3A_375 : i32 to index
      %get3A_377 = arith.index_cast %add3A_374 : i32 to index
      %get3A_378 = tpu.vector_load %arg4[%get3A_376, %get3A_377] {strides = array<i32>} : memref<2x16384xi32, #tpu.memory_space<vmem>>, vector<16xi32>,
      %get3A_379 = arith.constant 1 : i32
      %get3A_380 = arith.index_cast %get3A_379 : i32 to index
      %get3A_381 = arith.index_cast %add3A_374 : i32 to index
      %get3A_382 = tpu.vector_load %arg4[%get3A_380, %get3A_381] {strides = array<i32>} : memref<2x16384xi32, #tpu.memory_space<vmem>>, vector<16xi32>,
      %gather3A_383 = tpu.vector_load_idx %arg7[%get3A_382] : memref<2048xf32, #tpu.memory_space<vmem>>[vector<16xi32>], vector<16xf32>,
      %add3A_384 = arith.addi %mul3A_10, %get3A_378 : vector<16xi32>
      tpu.vector_store_idx %arg6[%add3A_384], %gather3A_383 {add = true} : memref<32768xf32, #tpu.memory_space<vmem>>[vector<16xi32>], vector<16xf32>,
      %mul3A_385 = arith.constant 512 : i32
      %mul3A_386 = arith.muli %scan3A_50, %mul3A_385 : i32
      %add3A_387 = arith.constant 384 : i32
      %add3A_388 = arith.addi %mul3A_386, %add3A_387 : i32
      %get3A_389 = arith.constant 0 : i32
      %get3A_390 = arith.index_cast %get3A_389 : i32 to index
      %get3A_391 = arith.index_cast %add3A_388 : i32 to index
      %get3A_392 = tpu.vector_load %arg4[%get3A_390, %get3A_391] {strides = array<i32>} : memref<2x16384xi32, #tpu.memory_space<vmem>>, vector<16xi32>,
      %get3A_393 = arith.constant 1 : i32
      %get3A_394 = arith.index_cast %get3A_393 : i32 to index
      %get3A_395 = arith.index_cast %add3A_388 : i32 to index
      %get3A_396 = tpu.vector_load %arg4[%get3A_394, %get3A_395] {strides = array<i32>} : memref<2x16384xi32, #tpu.memory_space<vmem>>, vector<16xi32>,
      %gather3A_397 = tpu.vector_load_idx %arg7[%get3A_396] : memref<2048xf32, #tpu.memory_space<vmem>>[vector<16xi32>], vector<16xf32>,
      %add3A_398 = arith.addi %mul3A_10, %get3A_392 : vector<16xi32>
      tpu.vector_store_idx %arg5[%add3A_398], %gather3A_397 {add = true} : memref<32768xf32, #tpu.memory_space<vmem>>[vector<16xi32>], vector<16xf32>,
      %mul3A_399 = arith.constant 512 : i32
      %mul3A_400 = arith.muli %scan3A_50, %mul3A_399 : i32
      %add3A_401 = arith.constant 400 : i32
      %add3A_402 = arith.addi %mul3A_400, %add3A_401 : i32
      %get3A_403 = arith.constant 0 : i32
      %get3A_404 = arith.index_cast %get3A_403 : i32 to index
      %get3A_405 = arith.index_cast %add3A_402 : i32 to index
      %get3A_406 = tpu.vector_load %arg4[%get3A_404, %get3A_405] {strides = array<i32>} : memref<2x16384xi32, #tpu.memory_space<vmem>>, vector<16xi32>,
      %get3A_407 = arith.constant 1 : i32
      %get3A_408 = arith.index_cast %get3A_407 : i32 to index
      %get3A_409 = arith.index_cast %add3A_402 : i32 to index
      %get3A_410 = tpu.vector_load %arg4[%get3A_408, %get3A_409] {strides = array<i32>} : memref<2x16384xi32, #tpu.memory_space<vmem>>, vector<16xi32>,
      %gather3A_411 = tpu.vector_load_idx %arg7[%get3A_410] : memref<2048xf32, #tpu.memory_space<vmem>>[vector<16xi32>], vector<16xf32>,
      %add3A_412 = arith.addi %mul3A_10, %get3A_406 : vector<16xi32>
      tpu.vector_store_idx %arg6[%add3A_412], %gather3A_411 {add = true} : memref<32768xf32, #tpu.memory_space<vmem>>[vector<16xi32>], vector<16xf32>,
      %mul3A_413 = arith.constant 512 : i32
      %mul3A_414 = arith.muli %scan3A_50, %mul3A_413 : i32
      %add3A_415 = arith.constant 416 : i32
      %add3A_416 = arith.addi %mul3A_414, %add3A_415 : i32
      %get3A_417 = arith.constant 0 : i32
      %get3A_418 = arith.index_cast %get3A_417 : i32 to index
      %get3A_419 = arith.index_cast %add3A_416 : i32 to index
      %get3A_420 = tpu.vector_load %arg4[%get3A_418, %get3A_419] {strides = array<i32>} : memref<2x16384xi32, #tpu.memory_space<vmem>>, vector<16xi32>,
      %get3A_421 = arith.constant 1 : i32
      %get3A_422 = arith.index_cast %get3A_421 : i32 to index
      %get3A_423 = arith.index_cast %add3A_416 : i32 to index
      %get3A_424 = tpu.vector_load %arg4[%get3A_422, %get3A_423] {strides = array<i32>} : memref<2x16384xi32, #tpu.memory_space<vmem>>, vector<16xi32>,
      %gather3A_425 = tpu.vector_load_idx %arg7[%get3A_424] : memref<2048xf32, #tpu.memory_space<vmem>>[vector<16xi32>], vector<16xf32>,
      %add3A_426 = arith.addi %mul3A_10, %get3A_420 : vector<16xi32>
      tpu.vector_store_idx %arg5[%add3A_426], %gather3A_425 {add = true} : memref<32768xf32, #tpu.memory_space<vmem>>[vector<16xi32>], vector<16xf32>,
      %mul3A_427 = arith.constant 512 : i32
      %mul3A_428 = arith.muli %scan3A_50, %mul3A_427 : i32
      %add3A_429 = arith.constant 432 : i32
      %add3A_430 = arith.addi %mul3A_428, %add3A_429 : i32
      %get3A_431 = arith.constant 0 : i32
      %get3A_432 = arith.index_cast %get3A_431 : i32 to index
      %get3A_433 = arith.index_cast %add3A_430 : i32 to index
      %get3A_434 = tpu.vector_load %arg4[%get3A_432, %get3A_433] {strides = array<i32>} : memref<2x16384xi32, #tpu.memory_space<vmem>>, vector<16xi32>,
      %get3A_435 = arith.constant 1 : i32
      %get3A_436 = arith.index_cast %get3A_435 : i32 to index
      %get3A_437 = arith.index_cast %add3A_430 : i32 to index
      %get3A_438 = tpu.vector_load %arg4[%get3A_436, %get3A_437] {strides = array<i32>} : memref<2x16384xi32, #tpu.memory_space<vmem>>, vector<16xi32>,
      %gather3A_439 = tpu.vector_load_idx %arg7[%get3A_438] : memref<2048xf32, #tpu.memory_space<vmem>>[vector<16xi32>], vector<16xf32>,
      %add3A_440 = arith.addi %mul3A_10, %get3A_434 : vector<16xi32>
      tpu.vector_store_idx %arg6[%add3A_440], %gather3A_439 {add = true} : memref<32768xf32, #tpu.memory_space<vmem>>[vector<16xi32>], vector<16xf32>,
      %mul3A_441 = arith.constant 512 : i32
      %mul3A_442 = arith.muli %scan3A_50, %mul3A_441 : i32
      %add3A_443 = arith.constant 448 : i32
      %add3A_444 = arith.addi %mul3A_442, %add3A_443 : i32
      %get3A_445 = arith.constant 0 : i32
      %get3A_446 = arith.index_cast %get3A_445 : i32 to index
      %get3A_447 = arith.index_cast %add3A_444 : i32 to index
      %get3A_448 = tpu.vector_load %arg4[%get3A_446, %get3A_447] {strides = array<i32>} : memref<2x16384xi32, #tpu.memory_space<vmem>>, vector<16xi32>,
      %get3A_449 = arith.constant 1 : i32
      %get3A_450 = arith.index_cast %get3A_449 : i32 to index
      %get3A_451 = arith.index_cast %add3A_444 : i32 to index
      %get3A_452 = tpu.vector_load %arg4[%get3A_450, %get3A_451] {strides = array<i32>} : memref<2x16384xi32, #tpu.memory_space<vmem>>, vector<16xi32>,
      %gather3A_453 = tpu.vector_load_idx %arg7[%get3A_452] : memref<2048xf32, #tpu.memory_space<vmem>>[vector<16xi32>], vector<16xf32>,
      %add3A_454 = arith.addi %mul3A_10, %get3A_448 : vector<16xi32>
      tpu.vector_store_idx %arg5[%add3A_454], %gather3A_453 {add = true} : memref<32768xf32, #tpu.memory_space<vmem>>[vector<16xi32>], vector<16xf32>,
      %mul3A_455 = arith.constant 512 : i32
      %mul3A_456 = arith.muli %scan3A_50, %mul3A_455 : i32
      %add3A_457 = arith.constant 464 : i32
      %add3A_458 = arith.addi %mul3A_456, %add3A_457 : i32
      %get3A_459 = arith.constant 0 : i32
      %get3A_460 = arith.index_cast %get3A_459 : i32 to index
      %get3A_461 = arith.index_cast %add3A_458 : i32 to index
      %get3A_462 = tpu.vector_load %arg4[%get3A_460, %get3A_461] {strides = array<i32>} : memref<2x16384xi32, #tpu.memory_space<vmem>>, vector<16xi32>,
      %get3A_463 = arith.constant 1 : i32
      %get3A_464 = arith.index_cast %get3A_463 : i32 to index
      %get3A_465 = arith.index_cast %add3A_458 : i32 to index
      %get3A_466 = tpu.vector_load %arg4[%get3A_464, %get3A_465] {strides = array<i32>} : memref<2x16384xi32, #tpu.memory_space<vmem>>, vector<16xi32>,
      %gather3A_467 = tpu.vector_load_idx %arg7[%get3A_466] : memref<2048xf32, #tpu.memory_space<vmem>>[vector<16xi32>], vector<16xf32>,
      %add3A_468 = arith.addi %mul3A_10, %get3A_462 : vector<16xi32>
      tpu.vector_store_idx %arg6[%add3A_468], %gather3A_467 {add = true} : memref<32768xf32, #tpu.memory_space<vmem>>[vector<16xi32>], vector<16xf32>,
      %mul3A_469 = arith.constant 512 : i32
      %mul3A_470 = arith.muli %scan3A_50, %mul3A_469 : i32
      %add3A_471 = arith.constant 480 : i32
      %add3A_472 = arith.addi %mul3A_470, %add3A_471 : i32
      %get3A_473 = arith.constant 0 : i32
      %get3A_474 = arith.index_cast %get3A_473 : i32 to index
      %get3A_475 = arith.index_cast %add3A_472 : i32 to index
      %get3A_476 = tpu.vector_load %arg4[%get3A_474, %get3A_475] {strides = array<i32>} : memref<2x16384xi32, #tpu.memory_space<vmem>>, vector<16xi32>,
      %get3A_477 = arith.constant 1 : i32
      %get3A_478 = arith.index_cast %get3A_477 : i32 to index
      %get3A_479 = arith.index_cast %add3A_472 : i32 to index
      %get3A_480 = tpu.vector_load %arg4[%get3A_478, %get3A_479] {strides = array<i32>} : memref<2x16384xi32, #tpu.memory_space<vmem>>, vector<16xi32>,
      %gather3A_481 = tpu.vector_load_idx %arg7[%get3A_480] : memref<2048xf32, #tpu.memory_space<vmem>>[vector<16xi32>], vector<16xf32>,
      %add3A_482 = arith.addi %mul3A_10, %get3A_476 : vector<16xi32>
      tpu.vector_store_idx %arg5[%add3A_482], %gather3A_481 {add = true} : memref<32768xf32, #tpu.memory_space<vmem>>[vector<16xi32>], vector<16xf32>,
      %mul3A_483 = arith.constant 512 : i32
      %mul3A_484 = arith.muli %scan3A_50, %mul3A_483 : i32
      %add3A_485 = arith.constant 496 : i32
      %add3A_486 = arith.addi %mul3A_484, %add3A_485 : i32
      %get3A_487 = arith.constant 0 : i32
      %get3A_488 = arith.index_cast %get3A_487 : i32 to index
      %get3A_489 = arith.index_cast %add3A_486 : i32 to index
      %get3A_490 = tpu.vector_load %arg4[%get3A_488, %get3A_489] {strides = array<i32>} : memref<2x16384xi32, #tpu.memory_space<vmem>>, vector<16xi32>,
      %get3A_491 = arith.constant 1 : i32
      %get3A_492 = arith.index_cast %get3A_491 : i32 to index
      %get3A_493 = arith.index_cast %add3A_486 : i32 to index
      %get3A_494 = tpu.vector_load %arg4[%get3A_492, %get3A_493] {strides = array<i32>} : memref<2x16384xi32, #tpu.memory_space<vmem>>, vector<16xi32>,
      %gather3A_495 = tpu.vector_load_idx %arg7[%get3A_494] : memref<2048xf32, #tpu.memory_space<vmem>>[vector<16xi32>], vector<16xf32>,
      %add3A_496 = arith.addi %mul3A_10, %get3A_490 : vector<16xi32>
      tpu.vector_store_idx %arg6[%add3A_496], %gather3A_495 {add = true} : memref<32768xf32, #tpu.memory_space<vmem>>[vector<16xi32>], vector<16xf32>,
    }
    %scan3A_43 = arith.constant 32 : i32
    %scan3A_44 = arith.constant 0 : i32
    %scan3A_45 = arith.constant 0 : i32
    %scan3A_46 = arith.constant 128 : i32
    %scan3A_47 = arith.addi %scan3A_45, %scan3A_46 : i32
    %scan3A_48 = arith.constant 1 : i32
    scf.for %scan3A_50 = %scan3A_45 to %scan3A_47 step %scan3A_48  : i32 {
      %mul3A_51 = arith.constant 16 : i32
      %mul3A_52 = arith.muli %scan3A_50, %mul3A_51 : i32
      %add3A_53 = arith.constant 0 : i32
      %add3A_54 = arith.addi %add3A_53, %mul3A_52 : i32
      %get3A = arith.index_cast %add3A_54 : i32 to index
      %get3A_55 = tpu.vector_load %arg5[%get3A] {strides = array<i32>} : memref<32768xf32, #tpu.memory_space<vmem>>, vector<16xf32>,
      %mul3A_56 = arith.constant 16 : i32
      %mul3A_57 = arith.muli %scan3A_50, %mul3A_56 : i32
      %add3A_58 = arith.constant 2048 : i32
      %add3A_59 = arith.addi %add3A_58, %mul3A_57 : i32
      %get3A_60 = arith.index_cast %add3A_59 : i32 to index
      %get3A_61 = tpu.vector_load %arg5[%get3A_60] {strides = array<i32>} : memref<32768xf32, #tpu.memory_space<vmem>>, vector<16xf32>,
      %mul3A_62 = arith.constant 16 : i32
      %mul3A_63 = arith.muli %scan3A_50, %mul3A_62 : i32
      %add3A_64 = arith.constant 4096 : i32
      %add3A_65 = arith.addi %add3A_64, %mul3A_63 : i32
      %get3A_66 = arith.index_cast %add3A_65 : i32 to index
      %get3A_67 = tpu.vector_load %arg5[%get3A_66] {strides = array<i32>} : memref<32768xf32, #tpu.memory_space<vmem>>, vector<16xf32>,
      %mul3A_68 = arith.constant 16 : i32
      %mul3A_69 = arith.muli %scan3A_50, %mul3A_68 : i32
      %add3A_70 = arith.constant 6144 : i32
      %add3A_71 = arith.addi %add3A_70, %mul3A_69 : i32
      %get3A_72 = arith.index_cast %add3A_71 : i32 to index
      %get3A_73 = tpu.vector_load %arg5[%get3A_72] {strides = array<i32>} : memref<32768xf32, #tpu.memory_space<vmem>>, vector<16xf32>,
      %mul3A_74 = arith.constant 16 : i32
      %mul3A_75 = arith.muli %scan3A_50, %mul3A_74 : i32
      %add3A_76 = arith.constant 8192 : i32
      %add3A_77 = arith.addi %add3A_76, %mul3A_75 : i32
      %get3A_78 = arith.index_cast %add3A_77 : i32 to index
      %get3A_79 = tpu.vector_load %arg5[%get3A_78] {strides = array<i32>} : memref<32768xf32, #tpu.memory_space<vmem>>, vector<16xf32>,
      %mul3A_80 = arith.constant 16 : i32
      %mul3A_81 = arith.muli %scan3A_50, %mul3A_80 : i32
      %add3A_82 = arith.constant 10240 : i32
      %add3A_83 = arith.addi %add3A_82, %mul3A_81 : i32
      %get3A_84 = arith.index_cast %add3A_83 : i32 to index
      %get3A_85 = tpu.vector_load %arg5[%get3A_84] {strides = array<i32>} : memref<32768xf32, #tpu.memory_space<vmem>>, vector<16xf32>,
      %mul3A_86 = arith.constant 16 : i32
      %mul3A_87 = arith.muli %scan3A_50, %mul3A_86 : i32
      %add3A_88 = arith.constant 12288 : i32
      %add3A_89 = arith.addi %add3A_88, %mul3A_87 : i32
      %get3A_90 = arith.index_cast %add3A_89 : i32 to index
      %get3A_91 = tpu.vector_load %arg5[%get3A_90] {strides = array<i32>} : memref<32768xf32, #tpu.memory_space<vmem>>, vector<16xf32>,
      %mul3A_92 = arith.constant 16 : i32
      %mul3A_93 = arith.muli %scan3A_50, %mul3A_92 : i32
      %add3A_94 = arith.constant 14336 : i32
      %add3A_95 = arith.addi %add3A_94, %mul3A_93 : i32
      %get3A_96 = arith.index_cast %add3A_95 : i32 to index
      %get3A_97 = tpu.vector_load %arg5[%get3A_96] {strides = array<i32>} : memref<32768xf32, #tpu.memory_space<vmem>>, vector<16xf32>,
      %mul3A_98 = arith.constant 16 : i32
      %mul3A_99 = arith.muli %scan3A_50, %mul3A_98 : i32
      %add3A_100 = arith.constant 16384 : i32
      %add3A_101 = arith.addi %add3A_100, %mul3A_99 : i32
      %get3A_102 = arith.index_cast %add3A_101 : i32 to index
      %get3A_103 = tpu.vector_load %arg5[%get3A_102] {strides = array<i32>} : memref<32768xf32, #tpu.memory_space<vmem>>, vector<16xf32>,
      %mul3A_104 = arith.constant 16 : i32
      %mul3A_105 = arith.muli %scan3A_50, %mul3A_104 : i32
      %add3A_106 = arith.constant 18432 : i32
      %add3A_107 = arith.addi %add3A_106, %mul3A_105 : i32
      %get3A_108 = arith.index_cast %add3A_107 : i32 to index
      %get3A_109 = tpu.vector_load %arg5[%get3A_108] {strides = array<i32>} : memref<32768xf32, #tpu.memory_space<vmem>>, vector<16xf32>,
      %mul3A_110 = arith.constant 16 : i32
      %mul3A_111 = arith.muli %scan3A_50, %mul3A_110 : i32
      %add3A_112 = arith.constant 20480 : i32
      %add3A_113 = arith.addi %add3A_112, %mul3A_111 : i32
      %get3A_114 = arith.index_cast %add3A_113 : i32 to index
      %get3A_115 = tpu.vector_load %arg5[%get3A_114] {strides = array<i32>} : memref<32768xf32, #tpu.memory_space<vmem>>, vector<16xf32>,
      %mul3A_116 = arith.constant 16 : i32
      %mul3A_117 = arith.muli %scan3A_50, %mul3A_116 : i32
      %add3A_118 = arith.constant 22528 : i32
      %add3A_119 = arith.addi %add3A_118, %mul3A_117 : i32
      %get3A_120 = arith.index_cast %add3A_119 : i32 to index
      %get3A_121 = tpu.vector_load %arg5[%get3A_120] {strides = array<i32>} : memref<32768xf32, #tpu.memory_space<vmem>>, vector<16xf32>,
      %mul3A_122 = arith.constant 16 : i32
      %mul3A_123 = arith.muli %scan3A_50, %mul3A_122 : i32
      %add3A_124 = arith.constant 24576 : i32
      %add3A_125 = arith.addi %add3A_124, %mul3A_123 : i32
      %get3A_126 = arith.index_cast %add3A_125 : i32 to index
      %get3A_127 = tpu.vector_load %arg5[%get3A_126] {strides = array<i32>} : memref<32768xf32, #tpu.memory_space<vmem>>, vector<16xf32>,
      %mul3A_128 = arith.constant 16 : i32
      %mul3A_129 = arith.muli %scan3A_50, %mul3A_128 : i32
      %add3A_130 = arith.constant 26624 : i32
      %add3A_131 = arith.addi %add3A_130, %mul3A_129 : i32
      %get3A_132 = arith.index_cast %add3A_131 : i32 to index
      %get3A_133 = tpu.vector_load %arg5[%get3A_132] {strides = array<i32>} : memref<32768xf32, #tpu.memory_space<vmem>>, vector<16xf32>,
      %mul3A_134 = arith.constant 16 : i32
      %mul3A_135 = arith.muli %scan3A_50, %mul3A_134 : i32
      %add3A_136 = arith.constant 28672 : i32
      %add3A_137 = arith.addi %add3A_136, %mul3A_135 : i32
      %get3A_138 = arith.index_cast %add3A_137 : i32 to index
      %get3A_139 = tpu.vector_load %arg5[%get3A_138] {strides = array<i32>} : memref<32768xf32, #tpu.memory_space<vmem>>, vector<16xf32>,
      %mul3A_140 = arith.constant 16 : i32
      %mul3A_141 = arith.muli %scan3A_50, %mul3A_140 : i32
      %add3A_142 = arith.constant 30720 : i32
      %add3A_143 = arith.addi %add3A_142, %mul3A_141 : i32
      %get3A_144 = arith.index_cast %add3A_143 : i32 to index
      %get3A_145 = tpu.vector_load %arg5[%get3A_144] {strides = array<i32>} : memref<32768xf32, #tpu.memory_space<vmem>>, vector<16xf32>,
      %mul3A_146 = arith.constant 16 : i32
      %mul3A_147 = arith.muli %scan3A_50, %mul3A_146 : i32
      %add3A_148 = arith.constant 0 : i32
      %add3A_149 = arith.addi %add3A_148, %mul3A_147 : i32
      %get3A_150 = arith.index_cast %add3A_149 : i32 to index
      %get3A_151 = tpu.vector_load %arg6[%get3A_150] {strides = array<i32>} : memref<32768xf32, #tpu.memory_space<vmem>>, vector<16xf32>,
      %mul3A_152 = arith.constant 16 : i32
      %mul3A_153 = arith.muli %scan3A_50, %mul3A_152 : i32
      %add3A_154 = arith.constant 2048 : i32
      %add3A_155 = arith.addi %add3A_154, %mul3A_153 : i32
      %get3A_156 = arith.index_cast %add3A_155 : i32 to index
      %get3A_157 = tpu.vector_load %arg6[%get3A_156] {strides = array<i32>} : memref<32768xf32, #tpu.memory_space<vmem>>, vector<16xf32>,
      %mul3A_158 = arith.constant 16 : i32
      %mul3A_159 = arith.muli %scan3A_50, %mul3A_158 : i32
      %add3A_160 = arith.constant 4096 : i32
      %add3A_161 = arith.addi %add3A_160, %mul3A_159 : i32
      %get3A_162 = arith.index_cast %add3A_161 : i32 to index
      %get3A_163 = tpu.vector_load %arg6[%get3A_162] {strides = array<i32>} : memref<32768xf32, #tpu.memory_space<vmem>>, vector<16xf32>,
      %mul3A_164 = arith.constant 16 : i32
      %mul3A_165 = arith.muli %scan3A_50, %mul3A_164 : i32
      %add3A_166 = arith.constant 6144 : i32
      %add3A_167 = arith.addi %add3A_166, %mul3A_165 : i32
      %get3A_168 = arith.index_cast %add3A_167 : i32 to index
      %get3A_169 = tpu.vector_load %arg6[%get3A_168] {strides = array<i32>} : memref<32768xf32, #tpu.memory_space<vmem>>, vector<16xf32>,
      %mul3A_170 = arith.constant 16 : i32
      %mul3A_171 = arith.muli %scan3A_50, %mul3A_170 : i32
      %add3A_172 = arith.constant 8192 : i32
      %add3A_173 = arith.addi %add3A_172, %mul3A_171 : i32
      %get3A_174 = arith.index_cast %add3A_173 : i32 to index
      %get3A_175 = tpu.vector_load %arg6[%get3A_174] {strides = array<i32>} : memref<32768xf32, #tpu.memory_space<vmem>>, vector<16xf32>,
      %mul3A_176 = arith.constant 16 : i32
      %mul3A_177 = arith.muli %scan3A_50, %mul3A_176 : i32
      %add3A_178 = arith.constant 10240 : i32
      %add3A_179 = arith.addi %add3A_178, %mul3A_177 : i32
      %get3A_180 = arith.index_cast %add3A_179 : i32 to index
      %get3A_181 = tpu.vector_load %arg6[%get3A_180] {strides = array<i32>} : memref<32768xf32, #tpu.memory_space<vmem>>, vector<16xf32>,
      %mul3A_182 = arith.constant 16 : i32
      %mul3A_183 = arith.muli %scan3A_50, %mul3A_182 : i32
      %add3A_184 = arith.constant 12288 : i32
      %add3A_185 = arith.addi %add3A_184, %mul3A_183 : i32
      %get3A_186 = arith.index_cast %add3A_185 : i32 to index
      %get3A_187 = tpu.vector_load %arg6[%get3A_186] {strides = array<i32>} : memref<32768xf32, #tpu.memory_space<vmem>>, vector<16xf32>,
      %mul3A_188 = arith.constant 16 : i32
      %mul3A_189 = arith.muli %scan3A_50, %mul3A_188 : i32
      %add3A_190 = arith.constant 14336 : i32
      %add3A_191 = arith.addi %add3A_190, %mul3A_189 : i32
      %get3A_192 = arith.index_cast %add3A_191 : i32 to index
      %get3A_193 = tpu.vector_load %arg6[%get3A_192] {strides = array<i32>} : memref<32768xf32, #tpu.memory_space<vmem>>, vector<16xf32>,
      %mul3A_194 = arith.constant 16 : i32
      %mul3A_195 = arith.muli %scan3A_50, %mul3A_194 : i32
      %add3A_196 = arith.constant 16384 : i32
      %add3A_197 = arith.addi %add3A_196, %mul3A_195 : i32
      %get3A_198 = arith.index_cast %add3A_197 : i32 to index
      %get3A_199 = tpu.vector_load %arg6[%get3A_198] {strides = array<i32>} : memref<32768xf32, #tpu.memory_space<vmem>>, vector<16xf32>,
      %mul3A_200 = arith.constant 16 : i32
      %mul3A_201 = arith.muli %scan3A_50, %mul3A_200 : i32
      %add3A_202 = arith.constant 18432 : i32
      %add3A_203 = arith.addi %add3A_202, %mul3A_201 : i32
      %get3A_204 = arith.index_cast %add3A_203 : i32 to index
      %get3A_205 = tpu.vector_load %arg6[%get3A_204] {strides = array<i32>} : memref<32768xf32, #tpu.memory_space<vmem>>, vector<16xf32>,
      %mul3A_206 = arith.constant 16 : i32
      %mul3A_207 = arith.muli %scan3A_50, %mul3A_206 : i32
      %add3A_208 = arith.constant 20480 : i32
      %add3A_209 = arith.addi %add3A_208, %mul3A_207 : i32
      %get3A_210 = arith.index_cast %add3A_209 : i32 to index
      %get3A_211 = tpu.vector_load %arg6[%get3A_210] {strides = array<i32>} : memref<32768xf32, #tpu.memory_space<vmem>>, vector<16xf32>,
      %mul3A_212 = arith.constant 16 : i32
      %mul3A_213 = arith.muli %scan3A_50, %mul3A_212 : i32
      %add3A_214 = arith.constant 22528 : i32
      %add3A_215 = arith.addi %add3A_214, %mul3A_213 : i32
      %get3A_216 = arith.index_cast %add3A_215 : i32 to index
      %get3A_217 = tpu.vector_load %arg6[%get3A_216] {strides = array<i32>} : memref<32768xf32, #tpu.memory_space<vmem>>, vector<16xf32>,
      %mul3A_218 = arith.constant 16 : i32
      %mul3A_219 = arith.muli %scan3A_50, %mul3A_218 : i32
      %add3A_220 = arith.constant 24576 : i32
      %add3A_221 = arith.addi %add3A_220, %mul3A_219 : i32
      %get3A_222 = arith.index_cast %add3A_221 : i32 to index
      %get3A_223 = tpu.vector_load %arg6[%get3A_222] {strides = array<i32>} : memref<32768xf32, #tpu.memory_space<vmem>>, vector<16xf32>,
      %mul3A_224 = arith.constant 16 : i32
      %mul3A_225 = arith.muli %scan3A_50, %mul3A_224 : i32
      %add3A_226 = arith.constant 26624 : i32
      %add3A_227 = arith.addi %add3A_226, %mul3A_225 : i32
      %get3A_228 = arith.index_cast %add3A_227 : i32 to index
      %get3A_229 = tpu.vector_load %arg6[%get3A_228] {strides = array<i32>} : memref<32768xf32, #tpu.memory_space<vmem>>, vector<16xf32>,
      %mul3A_230 = arith.constant 16 : i32
      %mul3A_231 = arith.muli %scan3A_50, %mul3A_230 : i32
      %add3A_232 = arith.constant 28672 : i32
      %add3A_233 = arith.addi %add3A_232, %mul3A_231 : i32
      %get3A_234 = arith.index_cast %add3A_233 : i32 to index
      %get3A_235 = tpu.vector_load %arg6[%get3A_234] {strides = array<i32>} : memref<32768xf32, #tpu.memory_space<vmem>>, vector<16xf32>,
      %mul3A_236 = arith.constant 16 : i32
      %mul3A_237 = arith.muli %scan3A_50, %mul3A_236 : i32
      %add3A_238 = arith.constant 30720 : i32
      %add3A_239 = arith.addi %add3A_238, %mul3A_237 : i32
      %get3A_240 = arith.index_cast %add3A_239 : i32 to index
      %get3A_241 = tpu.vector_load %arg6[%get3A_240] {strides = array<i32>} : memref<32768xf32, #tpu.memory_space<vmem>>, vector<16xf32>,
      %add3A_242 = arith.addf %get3A_55, %get3A_61 : vector<16xf32>
      %add3A_243 = arith.addf %get3A_67, %get3A_73 : vector<16xf32>
      %add3A_244 = arith.addf %get3A_79, %get3A_85 : vector<16xf32>
      %add3A_245 = arith.addf %get3A_91, %get3A_97 : vector<16xf32>
      %add3A_246 = arith.addf %get3A_103, %get3A_109 : vector<16xf32>
      %add3A_247 = arith.addf %get3A_115, %get3A_121 : vector<16xf32>
      %add3A_248 = arith.addf %get3A_127, %get3A_133 : vector<16xf32>
      %add3A_249 = arith.addf %get3A_139, %get3A_145 : vector<16xf32>
      %add3A_250 = arith.addf %get3A_151, %get3A_157 : vector<16xf32>
      %add3A_251 = arith.addf %get3A_163, %get3A_169 : vector<16xf32>
      %add3A_252 = arith.addf %get3A_175, %get3A_181 : vector<16xf32>
      %add3A_253 = arith.addf %get3A_187, %get3A_193 : vector<16xf32>
      %add3A_254 = arith.addf %get3A_199, %get3A_205 : vector<16xf32>
      %add3A_255 = arith.addf %get3A_211, %get3A_217 : vector<16xf32>
      %add3A_256 = arith.addf %get3A_223, %get3A_229 : vector<16xf32>
      %add3A_257 = arith.addf %get3A_235, %get3A_241 : vector<16xf32>
      %add3A_258 = arith.addf %add3A_242, %add3A_243 : vector<16xf32>
      %add3A_259 = arith.addf %add3A_244, %add3A_245 : vector<16xf32>
      %add3A_260 = arith.addf %add3A_246, %add3A_247 : vector<16xf32>
      %add3A_261 = arith.addf %add3A_248, %add3A_249 : vector<16xf32>
      %add3A_262 = arith.addf %add3A_250, %add3A_251 : vector<16xf32>
      %add3A_263 = arith.addf %add3A_252, %add3A_253 : vector<16xf32>
      %add3A_264 = arith.addf %add3A_254, %add3A_255 : vector<16xf32>
      %add3A_265 = arith.addf %add3A_256, %add3A_257 : vector<16xf32>
      %add3A_266 = arith.addf %add3A_258, %add3A_259 : vector<16xf32>
      %add3A_267 = arith.addf %add3A_260, %add3A_261 : vector<16xf32>
      %add3A_268 = arith.addf %add3A_262, %add3A_263 : vector<16xf32>
      %add3A_269 = arith.addf %add3A_264, %add3A_265 : vector<16xf32>
      %add3A_270 = arith.addf %add3A_266, %add3A_267 : vector<16xf32>
      %add3A_271 = arith.addf %add3A_268, %add3A_269 : vector<16xf32>
      %add3A_272 = arith.addf %add3A_270, %add3A_271 : vector<16xf32>
      %mul3A_273 = arith.constant 16 : i32
      %mul3A_274 = arith.muli %scan3A_50, %mul3A_273 : i32
      %get3A_275 = arith.index_cast %mul3A_274 : i32 to index
      %get3A_276 = tpu.vector_load %arg8[%get3A_275] {strides = array<i32>} : memref<2048xf32, #tpu.memory_space<vmem>>, vector<16xf32>,
      %sub3A = arith.subf %add3A_272, %get3A_276 : vector<16xf32>
      %mul3A_277 = arith.constant 16 : i32
      %mul3A_278 = arith.muli %scan3A_50, %mul3A_277 : i32
      %get3A_279 = arith.index_cast %mul3A_278 : i32 to index
      %get3A_280 = tpu.vector_load %arg7[%get3A_279] {strides = array<i32>} : memref<2048xf32, #tpu.memory_space<vmem>>, vector<16xf32>,
      %add3A_281 = arith.addf %sub3A, %get3A_280 : vector<16xf32>
      %mul3A_282 = arith.mulf %get3A_280, %add3A_281 : vector<16xf32>
      %mul3A_283 = arith.constant 16 : i32
      %mul3A_284 = arith.muli %scan3A_50, %mul3A_283 : i32
      %swap3A = arith.index_cast %mul3A_284 : i32 to index
      %swap3A_285 = tpu.vector_load %arg9[%swap3A] {strides = array<i32>} : memref<2048xf32, #tpu.memory_space<vmem>>, vector<16xf32>,
      tpu.vector_store %arg9[%swap3A], %mul3A_282 {strides = array<i32>} : memref<2048xf32, #tpu.memory_space<vmem>>, vector<16xf32>,
    }
    %scan3A_49 = arith.constant 128 : i32
    "tpu.region"() ({
      %run_scoped3A = tpu.sem_alloc : memref<!tpu.dma_semaphore, #tpu.memory_space<semaphore_mem>>
      %dma_start3A_50 = arith.constant 0 : i32
      %dma_start3A_51 = tpu.memref_slice %arg3[%add3A, %dma_start3A_50] : memref<32x2048xf32, #tpu.memory_space<hbm>> -> memref<1x2048xf32, #tpu.memory_space<hbm>>
      %dma_start3A_52 = tpu.memref_squeeze %dma_start3A_51 : memref<1x2048xf32, #tpu.memory_space<hbm>> -> memref<2048xf32, #tpu.memory_space<hbm>>
      %dma_start3A_53 = arith.constant 0 : i32
      %dma_start3A_54 = tpu.memref_slice %arg3[%add3A, %dma_start3A_53] : memref<32x2048xf32, #tpu.memory_space<hbm>> -> memref<1x2048xf32, #tpu.memory_space<hbm>>
      %dma_start3A_55 = tpu.memref_squeeze %dma_start3A_54 : memref<1x2048xf32, #tpu.memory_space<hbm>> -> memref<2048xf32, #tpu.memory_space<hbm>>
      tpu.enqueue_dma source(%arg9 : memref<2048xf32, #tpu.memory_space<vmem>>) target(%dma_start3A_55 : memref<2048xf32, #tpu.memory_space<hbm>>) target_semaphore(%run_scoped3A : memref<!tpu.dma_semaphore, #tpu.memory_space<semaphore_mem>>)
      %dma_wait3A_56 = arith.constant 0 : i32
      %dma_wait3A_57 = tpu.memref_slice %arg3[%add3A, %dma_wait3A_56] : memref<32x2048xf32, #tpu.memory_space<hbm>> -> memref<1x2048xf32, #tpu.memory_space<hbm>>
      %dma_wait3A_58 = tpu.memref_squeeze %dma_wait3A_57 : memref<1x2048xf32, #tpu.memory_space<hbm>> -> memref<2048xf32, #tpu.memory_space<hbm>>
      %dma_wait3A_59 = arith.constant 0 : i32
      %dma_wait3A_60 = tpu.memref_slice %arg3[%add3A, %dma_wait3A_59] : memref<32x2048xf32, #tpu.memory_space<hbm>> -> memref<1x2048xf32, #tpu.memory_space<hbm>>
      %dma_wait3A_61 = tpu.memref_squeeze %dma_wait3A_60 : memref<1x2048xf32, #tpu.memory_space<hbm>> -> memref<2048xf32, #tpu.memory_space<hbm>>
      tpu.wait_dma2 semaphore(%run_scoped3A : memref<!tpu.dma_semaphore, #tpu.memory_space<semaphore_mem>>) src(%arg9 : memref<2048xf32, #tpu.memory_space<vmem>>) dst(%dma_wait3A_61 : memref<2048xf32, #tpu.memory_space<hbm>>)
      tpu.yield
    }) : () -> ()
    return
  }
}

module attributes {stable_mosaic.version = 14 : i64} {
  func.func @body(%arg0: i32, %arg1: memref<32x2048xf32, #tpu.memory_space<vmem>>, %arg2: memref<8x2048x128xf32, #tpu.memory_space<vmem>>, %arg3: memref<2x128xi32, #tpu.memory_space<vmem>>, %arg4: memref<128x128xf32, #tpu.memory_space<vmem>>, %arg5: memref<128xf32, #tpu.memory_space<vmem>>, %arg6: memref<128x128xf32, #tpu.memory_space<vmem>>, %arg7: memref<128xf32, #tpu.memory_space<vmem>>, %arg8: memref<128x64xf32, #tpu.memory_space<vmem>>, %arg9: memref<64xf32, #tpu.memory_space<vmem>>, %arg10: memref<64x32xf32, #tpu.memory_space<vmem>>, %arg11: memref<32xf32, #tpu.memory_space<vmem>>, %arg12: memref<32x32xf32, #tpu.memory_space<vmem>>, %arg13: memref<32x128xf32, #tpu.memory_space<vmem>>) attributes {dimension_semantics = [#tpu.dimension_semantics<arbitrary>], iteration_bounds = array<i64: 4>, scalar_prefetch = 0 : i64, scratch_operands = 1 : i64, tpu.core_type = #tpu.core_type<tc>, window_params = [{pipeline_mode = #tpu.pipeline_mode<synchronous>, transform_indices = @transform_0, window_bounds = array<i64: 32, 2048>}, {transform_indices = @transform_1, window_bounds = array<i64: 8, 2048, 128>}, {pipeline_mode = #tpu.pipeline_mode<synchronous>, transform_indices = @transform_2, window_bounds = array<i64: 2, 128>}, {pipeline_mode = #tpu.pipeline_mode<synchronous>, transform_indices = @transform_3, window_bounds = array<i64: 128, 128>}, {pipeline_mode = #tpu.pipeline_mode<synchronous>, transform_indices = @transform_4, window_bounds = array<i64: 128>}, {pipeline_mode = #tpu.pipeline_mode<synchronous>, transform_indices = @transform_5, window_bounds = array<i64: 128, 128>}, {pipeline_mode = #tpu.pipeline_mode<synchronous>, transform_indices = @transform_6, window_bounds = array<i64: 128>}, {pipeline_mode = #tpu.pipeline_mode<synchronous>, transform_indices = @transform_7, window_bounds = array<i64: 128, 64>}, {pipeline_mode = #tpu.pipeline_mode<synchronous>, transform_indices = @transform_8, window_bounds = array<i64: 64>}, {pipeline_mode = #tpu.pipeline_mode<synchronous>, transform_indices = @transform_9, window_bounds = array<i64: 64, 32>}, {pipeline_mode = #tpu.pipeline_mode<synchronous>, transform_indices = @transform_10, window_bounds = array<i64: 32>}, {pipeline_mode = #tpu.pipeline_mode<synchronous>, transform_indices = @transform_11, window_bounds = array<i64: 32, 32>}]} {
    %eq3A = arith.constant 0 : i32
    %eq3A_0 = arith.cmpi eq, %arg0, %eq3A : i32
    %convert_element_type3A = arith.extui %eq3A_0 : i1 to i32
    %cond3A = arith.constant 0 : i32
    %cond3A_1 = arith.cmpi ne, %convert_element_type3A, %cond3A : i32
    scf.if %cond3A_1 {
      %broadcast_in_dim3A_147 = arith.constant 0.000000e+00 : f32
      %broadcast_in_dim3A_148 = vector.broadcast %broadcast_in_dim3A_147 : f32 to vector<32x128xf32>
      %swap3A_149 = arith.constant 0 : index
      %swap3A_150 = arith.constant 0 : index
      %swap3A_151 = vector.load %arg13[%swap3A_149, %swap3A_150] : memref<32x128xf32, #tpu.memory_space<vmem>>, vector<32x128xf32>
      tpu.vector_store %arg13[%swap3A_149, %swap3A_150], %broadcast_in_dim3A_148 {strides = array<i32>} : memref<32x128xf32, #tpu.memory_space<vmem>>, vector<32x128xf32>,
    } else {
    }
    %get3A = arith.constant 0 : index
    %get3A_2 = arith.constant 0 : index
    %get3A_3 = vector.load %arg1[%get3A, %get3A_2] : memref<32x2048xf32, #tpu.memory_space<vmem>>, vector<32x2048xf32>
    %iota3A = tpu.iota {dimensions = array<i32: 0>} : vector<32x2048xi32>
    %broadcast_in_dim3A = arith.constant 0.000000e+00 : f32
    %broadcast_in_dim3A_4 = vector.broadcast %broadcast_in_dim3A : f32 to vector<32x128xf32>
    %mul3A = arith.constant 8 : i32
    %mul3A_5 = arith.muli %arg0, %mul3A : i32
    %add3A = arith.constant 0 : i32
    %add3A_6 = arith.addi %mul3A_5, %add3A : i32
    %eq3A_7 = vector.broadcast %add3A_6 : i32 to vector<32x2048xi32>
    %eq3A_8 = arith.cmpi eq, %iota3A, %eq3A_7 : vector<32x2048xi32>
    %jit3A = arith.constant 0.000000e+00 : f32
    %broadcast_in_dim3A_9 = vector.broadcast %jit3A : f32 to vector<32x2048xf32>
    %select_n3A = arith.select %eq3A_8, %get3A_3, %broadcast_in_dim3A_9 : vector<32x2048xi1>, vector<32x2048xf32>
    %get3A_10 = arith.constant 0 : index
    %get3A_11 = arith.constant 0 : index
    %get3A_12 = arith.constant 0 : index
    %get3A_13 = vector.load %arg2[%get3A_10, %get3A_11, %get3A_12] : memref<8x2048x128xf32, #tpu.memory_space<vmem>>, vector<1x2048x128xf32>
    %get3A_14 = vector.shape_cast %get3A_13 : vector<1x2048x128xf32> to vector<2048x128xf32>
    %dot_general3A = arith.constant dense<0.000000e+00> : vector<32x128xf32>
    %dot_general3A_15 = tpu.matmul %select_n3A, %get3A_14, %dot_general3A {dimension_numbers = #tpu.dot_dimension_numbers<[1], [0], [0], [1], [0, 0, 1, 1], [], []>, transpose_lhs_hint = false} : vector<32x2048xf32>, vector<2048x128xf32>, vector<32x128xf32> -> vector<32x128xf32>
    %add3A_16 = arith.addf %broadcast_in_dim3A_4, %dot_general3A_15 : vector<32x128xf32>
    %mul3A_17 = arith.constant 8 : i32
    %mul3A_18 = arith.muli %arg0, %mul3A_17 : i32
    %add3A_19 = arith.constant 1 : i32
    %add3A_20 = arith.addi %mul3A_18, %add3A_19 : i32
    %eq3A_21 = vector.broadcast %add3A_20 : i32 to vector<32x2048xi32>
    %eq3A_22 = arith.cmpi eq, %iota3A, %eq3A_21 : vector<32x2048xi32>
    %jit3A_23 = arith.constant 0.000000e+00 : f32
    %broadcast_in_dim3A_24 = vector.broadcast %jit3A_23 : f32 to vector<32x2048xf32>
    %select_n3A_25 = arith.select %eq3A_22, %get3A_3, %broadcast_in_dim3A_24 : vector<32x2048xi1>, vector<32x2048xf32>
    %get3A_26 = arith.constant 1 : index
    %get3A_27 = arith.constant 0 : index
    %get3A_28 = arith.constant 0 : index
    %get3A_29 = vector.load %arg2[%get3A_26, %get3A_27, %get3A_28] : memref<8x2048x128xf32, #tpu.memory_space<vmem>>, vector<1x2048x128xf32>
    %get3A_30 = vector.shape_cast %get3A_29 : vector<1x2048x128xf32> to vector<2048x128xf32>
    %dot_general3A_31 = arith.constant dense<0.000000e+00> : vector<32x128xf32>
    %dot_general3A_32 = tpu.matmul %select_n3A_25, %get3A_30, %dot_general3A_31 {dimension_numbers = #tpu.dot_dimension_numbers<[1], [0], [0], [1], [0, 0, 1, 1], [], []>, transpose_lhs_hint = false} : vector<32x2048xf32>, vector<2048x128xf32>, vector<32x128xf32> -> vector<32x128xf32>
    %add3A_33 = arith.addf %add3A_16, %dot_general3A_32 : vector<32x128xf32>
    %mul3A_34 = arith.constant 8 : i32
    %mul3A_35 = arith.muli %arg0, %mul3A_34 : i32
    %add3A_36 = arith.constant 2 : i32
    %add3A_37 = arith.addi %mul3A_35, %add3A_36 : i32
    %eq3A_38 = vector.broadcast %add3A_37 : i32 to vector<32x2048xi32>
    %eq3A_39 = arith.cmpi eq, %iota3A, %eq3A_38 : vector<32x2048xi32>
    %jit3A_40 = arith.constant 0.000000e+00 : f32
    %broadcast_in_dim3A_41 = vector.broadcast %jit3A_40 : f32 to vector<32x2048xf32>
    %select_n3A_42 = arith.select %eq3A_39, %get3A_3, %broadcast_in_dim3A_41 : vector<32x2048xi1>, vector<32x2048xf32>
    %get3A_43 = arith.constant 2 : index
    %get3A_44 = arith.constant 0 : index
    %get3A_45 = arith.constant 0 : index
    %get3A_46 = vector.load %arg2[%get3A_43, %get3A_44, %get3A_45] : memref<8x2048x128xf32, #tpu.memory_space<vmem>>, vector<1x2048x128xf32>
    %get3A_47 = vector.shape_cast %get3A_46 : vector<1x2048x128xf32> to vector<2048x128xf32>
    %dot_general3A_48 = arith.constant dense<0.000000e+00> : vector<32x128xf32>
    %dot_general3A_49 = tpu.matmul %select_n3A_42, %get3A_47, %dot_general3A_48 {dimension_numbers = #tpu.dot_dimension_numbers<[1], [0], [0], [1], [0, 0, 1, 1], [], []>, transpose_lhs_hint = false} : vector<32x2048xf32>, vector<2048x128xf32>, vector<32x128xf32> -> vector<32x128xf32>
    %add3A_50 = arith.addf %add3A_33, %dot_general3A_49 : vector<32x128xf32>
    %mul3A_51 = arith.constant 8 : i32
    %mul3A_52 = arith.muli %arg0, %mul3A_51 : i32
    %add3A_53 = arith.constant 3 : i32
    %add3A_54 = arith.addi %mul3A_52, %add3A_53 : i32
    %eq3A_55 = vector.broadcast %add3A_54 : i32 to vector<32x2048xi32>
    %eq3A_56 = arith.cmpi eq, %iota3A, %eq3A_55 : vector<32x2048xi32>
    %jit3A_57 = arith.constant 0.000000e+00 : f32
    %broadcast_in_dim3A_58 = vector.broadcast %jit3A_57 : f32 to vector<32x2048xf32>
    %select_n3A_59 = arith.select %eq3A_56, %get3A_3, %broadcast_in_dim3A_58 : vector<32x2048xi1>, vector<32x2048xf32>
    %get3A_60 = arith.constant 3 : index
    %get3A_61 = arith.constant 0 : index
    %get3A_62 = arith.constant 0 : index
    %get3A_63 = vector.load %arg2[%get3A_60, %get3A_61, %get3A_62] : memref<8x2048x128xf32, #tpu.memory_space<vmem>>, vector<1x2048x128xf32>
    %get3A_64 = vector.shape_cast %get3A_63 : vector<1x2048x128xf32> to vector<2048x128xf32>
    %dot_general3A_65 = arith.constant dense<0.000000e+00> : vector<32x128xf32>
    %dot_general3A_66 = tpu.matmul %select_n3A_59, %get3A_64, %dot_general3A_65 {dimension_numbers = #tpu.dot_dimension_numbers<[1], [0], [0], [1], [0, 0, 1, 1], [], []>, transpose_lhs_hint = false} : vector<32x2048xf32>, vector<2048x128xf32>, vector<32x128xf32> -> vector<32x128xf32>
    %add3A_67 = arith.addf %add3A_50, %dot_general3A_66 : vector<32x128xf32>
    %mul3A_68 = arith.constant 8 : i32
    %mul3A_69 = arith.muli %arg0, %mul3A_68 : i32
    %add3A_70 = arith.constant 4 : i32
    %add3A_71 = arith.addi %mul3A_69, %add3A_70 : i32
    %eq3A_72 = vector.broadcast %add3A_71 : i32 to vector<32x2048xi32>
    %eq3A_73 = arith.cmpi eq, %iota3A, %eq3A_72 : vector<32x2048xi32>
    %jit3A_74 = arith.constant 0.000000e+00 : f32
    %broadcast_in_dim3A_75 = vector.broadcast %jit3A_74 : f32 to vector<32x2048xf32>
    %select_n3A_76 = arith.select %eq3A_73, %get3A_3, %broadcast_in_dim3A_75 : vector<32x2048xi1>, vector<32x2048xf32>
    %get3A_77 = arith.constant 4 : index
    %get3A_78 = arith.constant 0 : index
    %get3A_79 = arith.constant 0 : index
    %get3A_80 = vector.load %arg2[%get3A_77, %get3A_78, %get3A_79] : memref<8x2048x128xf32, #tpu.memory_space<vmem>>, vector<1x2048x128xf32>
    %get3A_81 = vector.shape_cast %get3A_80 : vector<1x2048x128xf32> to vector<2048x128xf32>
    %dot_general3A_82 = arith.constant dense<0.000000e+00> : vector<32x128xf32>
    %dot_general3A_83 = tpu.matmul %select_n3A_76, %get3A_81, %dot_general3A_82 {dimension_numbers = #tpu.dot_dimension_numbers<[1], [0], [0], [1], [0, 0, 1, 1], [], []>, transpose_lhs_hint = false} : vector<32x2048xf32>, vector<2048x128xf32>, vector<32x128xf32> -> vector<32x128xf32>
    %add3A_84 = arith.addf %add3A_67, %dot_general3A_83 : vector<32x128xf32>
    %mul3A_85 = arith.constant 8 : i32
    %mul3A_86 = arith.muli %arg0, %mul3A_85 : i32
    %add3A_87 = arith.constant 5 : i32
    %add3A_88 = arith.addi %mul3A_86, %add3A_87 : i32
    %eq3A_89 = vector.broadcast %add3A_88 : i32 to vector<32x2048xi32>
    %eq3A_90 = arith.cmpi eq, %iota3A, %eq3A_89 : vector<32x2048xi32>
    %jit3A_91 = arith.constant 0.000000e+00 : f32
    %broadcast_in_dim3A_92 = vector.broadcast %jit3A_91 : f32 to vector<32x2048xf32>
    %select_n3A_93 = arith.select %eq3A_90, %get3A_3, %broadcast_in_dim3A_92 : vector<32x2048xi1>, vector<32x2048xf32>
    %get3A_94 = arith.constant 5 : index
    %get3A_95 = arith.constant 0 : index
    %get3A_96 = arith.constant 0 : index
    %get3A_97 = vector.load %arg2[%get3A_94, %get3A_95, %get3A_96] : memref<8x2048x128xf32, #tpu.memory_space<vmem>>, vector<1x2048x128xf32>
    %get3A_98 = vector.shape_cast %get3A_97 : vector<1x2048x128xf32> to vector<2048x128xf32>
    %dot_general3A_99 = arith.constant dense<0.000000e+00> : vector<32x128xf32>
    %dot_general3A_100 = tpu.matmul %select_n3A_93, %get3A_98, %dot_general3A_99 {dimension_numbers = #tpu.dot_dimension_numbers<[1], [0], [0], [1], [0, 0, 1, 1], [], []>, transpose_lhs_hint = false} : vector<32x2048xf32>, vector<2048x128xf32>, vector<32x128xf32> -> vector<32x128xf32>
    %add3A_101 = arith.addf %add3A_84, %dot_general3A_100 : vector<32x128xf32>
    %mul3A_102 = arith.constant 8 : i32
    %mul3A_103 = arith.muli %arg0, %mul3A_102 : i32
    %add3A_104 = arith.constant 6 : i32
    %add3A_105 = arith.addi %mul3A_103, %add3A_104 : i32
    %eq3A_106 = vector.broadcast %add3A_105 : i32 to vector<32x2048xi32>
    %eq3A_107 = arith.cmpi eq, %iota3A, %eq3A_106 : vector<32x2048xi32>
    %jit3A_108 = arith.constant 0.000000e+00 : f32
    %broadcast_in_dim3A_109 = vector.broadcast %jit3A_108 : f32 to vector<32x2048xf32>
    %select_n3A_110 = arith.select %eq3A_107, %get3A_3, %broadcast_in_dim3A_109 : vector<32x2048xi1>, vector<32x2048xf32>
    %get3A_111 = arith.constant 6 : index
    %get3A_112 = arith.constant 0 : index
    %get3A_113 = arith.constant 0 : index
    %get3A_114 = vector.load %arg2[%get3A_111, %get3A_112, %get3A_113] : memref<8x2048x128xf32, #tpu.memory_space<vmem>>, vector<1x2048x128xf32>
    %get3A_115 = vector.shape_cast %get3A_114 : vector<1x2048x128xf32> to vector<2048x128xf32>
    %dot_general3A_116 = arith.constant dense<0.000000e+00> : vector<32x128xf32>
    %dot_general3A_117 = tpu.matmul %select_n3A_110, %get3A_115, %dot_general3A_116 {dimension_numbers = #tpu.dot_dimension_numbers<[1], [0], [0], [1], [0, 0, 1, 1], [], []>, transpose_lhs_hint = false} : vector<32x2048xf32>, vector<2048x128xf32>, vector<32x128xf32> -> vector<32x128xf32>
    %add3A_118 = arith.addf %add3A_101, %dot_general3A_117 : vector<32x128xf32>
    %mul3A_119 = arith.constant 8 : i32
    %mul3A_120 = arith.muli %arg0, %mul3A_119 : i32
    %add3A_121 = arith.constant 7 : i32
    %add3A_122 = arith.addi %mul3A_120, %add3A_121 : i32
    %eq3A_123 = vector.broadcast %add3A_122 : i32 to vector<32x2048xi32>
    %eq3A_124 = arith.cmpi eq, %iota3A, %eq3A_123 : vector<32x2048xi32>
    %jit3A_125 = arith.constant 0.000000e+00 : f32
    %broadcast_in_dim3A_126 = vector.broadcast %jit3A_125 : f32 to vector<32x2048xf32>
    %select_n3A_127 = arith.select %eq3A_124, %get3A_3, %broadcast_in_dim3A_126 : vector<32x2048xi1>, vector<32x2048xf32>
    %get3A_128 = arith.constant 7 : index
    %get3A_129 = arith.constant 0 : index
    %get3A_130 = arith.constant 0 : index
    %get3A_131 = vector.load %arg2[%get3A_128, %get3A_129, %get3A_130] : memref<8x2048x128xf32, #tpu.memory_space<vmem>>, vector<1x2048x128xf32>
    %get3A_132 = vector.shape_cast %get3A_131 : vector<1x2048x128xf32> to vector<2048x128xf32>
    %dot_general3A_133 = arith.constant dense<0.000000e+00> : vector<32x128xf32>
    %dot_general3A_134 = tpu.matmul %select_n3A_127, %get3A_132, %dot_general3A_133 {dimension_numbers = #tpu.dot_dimension_numbers<[1], [0], [0], [1], [0, 0, 1, 1], [], []>, transpose_lhs_hint = false} : vector<32x2048xf32>, vector<2048x128xf32>, vector<32x128xf32> -> vector<32x128xf32>
    %add3A_135 = arith.addf %add3A_118, %dot_general3A_134 : vector<32x128xf32>
    %get3A_136 = arith.constant 0 : index
    %get3A_137 = arith.constant 0 : index
    %get3A_138 = vector.load %arg13[%get3A_136, %get3A_137] : memref<32x128xf32, #tpu.memory_space<vmem>>, vector<32x128xf32>
    %add3A_139 = arith.addf %get3A_138, %add3A_135 : vector<32x128xf32>
    %swap3A = arith.constant 0 : index
    %swap3A_140 = arith.constant 0 : index
    %swap3A_141 = vector.load %arg13[%swap3A, %swap3A_140] : memref<32x128xf32, #tpu.memory_space<vmem>>, vector<32x128xf32>
    tpu.vector_store %arg13[%swap3A, %swap3A_140], %add3A_139 {strides = array<i32>} : memref<32x128xf32, #tpu.memory_space<vmem>>, vector<32x128xf32>,
    %eq3A_142 = arith.constant 3 : i32
    %eq3A_143 = arith.cmpi eq, %arg0, %eq3A_142 : i32
    %convert_element_type3A_144 = arith.extui %eq3A_143 : i1 to i32
    %cond3A_145 = arith.constant 0 : i32
    %cond3A_146 = arith.cmpi ne, %convert_element_type3A_144, %cond3A_145 : i32
    scf.if %cond3A_146 {
      %get3A_147 = arith.constant 0 : index
      %get3A_148 = arith.constant 0 : index
      %get3A_149 = vector.load %arg13[%get3A_147, %get3A_148] : memref<32x128xf32, #tpu.memory_space<vmem>>, vector<32x128xf32>
      %get3A_150 = arith.constant 0 : index
      %get3A_151 = arith.constant 0 : index
      %get3A_152 = vector.load %arg4[%get3A_150, %get3A_151] : memref<128x128xf32, #tpu.memory_space<vmem>>, vector<128x128xf32>
      %dot_general3A_153 = arith.constant dense<0.000000e+00> : vector<32x128xf32>
      %dot_general3A_154 = tpu.matmul %get3A_149, %get3A_152, %dot_general3A_153 {dimension_numbers = #tpu.dot_dimension_numbers<[1], [0], [0], [1], [0, 0, 1, 1], [], []>, transpose_lhs_hint = false} : vector<32x128xf32>, vector<128x128xf32>, vector<32x128xf32> -> vector<32x128xf32>
      %get3A_155 = arith.constant 0 : index
      %get3A_156 = vector.load %arg5[%get3A_155] : memref<128xf32, #tpu.memory_space<vmem>>, vector<128xf32>
      %mul3A_157 = arith.constant 2.048000e+03 : f32
      %mul3A_158 = vector.broadcast %mul3A_157 : f32 to vector<128xf32>
      %mul3A_159 = arith.mulf %mul3A_158, %get3A_156 : vector<128xf32>
      %broadcast_in_dim3A_160 = vector.shape_cast %mul3A_159 : vector<128xf32> to vector<1x128xf32>
      %add3A_161 = vector.broadcast %broadcast_in_dim3A_160 : vector<1x128xf32> to vector<32x128xf32>
      %add3A_162 = arith.addf %dot_general3A_154, %add3A_161 : vector<32x128xf32>
      %mul3A_163 = arith.constant 6.250000e-02 : f32
      %mul3A_164 = vector.broadcast %mul3A_163 : f32 to vector<32x128xf32>
      %mul3A_165 = arith.mulf %add3A_162, %mul3A_164 : vector<32x128xf32>
      %get3A_166 = arith.constant 0 : index
      %get3A_167 = arith.constant 0 : index
      %get3A_168 = vector.load %arg3[%get3A_166, %get3A_167] : memref<2x128xi32, #tpu.memory_space<vmem>>, vector<2x128xi32>
      %iota3A_169 = tpu.iota {dimensions = array<i32: 1>} : vector<128x32xi32>
      %slice3A = vector.extract_strided_slice %get3A_168 {offsets = [0, 0], sizes = [1, 128], strides = [1, 1]} : vector<2x128xi32> to vector<1x128xi32>
      %squeeze3A = vector.shape_cast %slice3A : vector<1x128xi32> to vector<128xi32>
      %broadcast_in_dim3A_170 = vector.shape_cast %squeeze3A : vector<128xi32> to vector<128x1xi32>
      %eq3A_171 = vector.broadcast %broadcast_in_dim3A_170 : vector<128x1xi32> to vector<128x32xi32>
      %eq3A_172 = arith.cmpi eq, %eq3A_171, %iota3A_169 : vector<128x32xi32>
      %convert_element_type3A_173 = arith.extui %eq3A_172 : vector<128x32xi1> to vector<128x32xi32>
      %convert_element_type3A_174 = arith.sitofp %convert_element_type3A_173 : vector<128x32xi32> to vector<128x32xf32>
      %slice3A_175 = vector.extract_strided_slice %get3A_168 {offsets = [1, 0], sizes = [1, 128], strides = [1, 1]} : vector<2x128xi32> to vector<1x128xi32>
      %squeeze3A_176 = vector.shape_cast %slice3A_175 : vector<1x128xi32> to vector<128xi32>
      %broadcast_in_dim3A_177 = vector.shape_cast %squeeze3A_176 : vector<128xi32> to vector<128x1xi32>
      %eq3A_178 = vector.broadcast %broadcast_in_dim3A_177 : vector<128x1xi32> to vector<128x32xi32>
      %eq3A_179 = arith.cmpi eq, %eq3A_178, %iota3A_169 : vector<128x32xi32>
      %convert_element_type3A_180 = arith.extui %eq3A_179 : vector<128x32xi1> to vector<128x32xi32>
      %convert_element_type3A_181 = arith.sitofp %convert_element_type3A_180 : vector<128x32xi32> to vector<128x32xf32>
      %dot_general3A_182 = arith.constant dense<0.000000e+00> : vector<32x32xf32>
      %dot_general3A_183 = tpu.matmul %convert_element_type3A_181, %convert_element_type3A_174, %dot_general3A_182 {dimension_numbers = #tpu.dot_dimension_numbers<[0], [0], [1], [1], [0, 1, 1, 1], [], []>, transpose_lhs_hint = false} : vector<128x32xf32>, vector<128x32xf32>, vector<32x32xf32> -> vector<32x32xf32>
      %iota3A_184 = tpu.iota {dimensions = array<i32: 0>} : vector<32x32xi32>
      %iota3A_185 = tpu.iota {dimensions = array<i32: 1>} : vector<32x32xi32>
      %eq3A_186 = arith.cmpi eq, %iota3A_184, %iota3A_185 : vector<32x32xi32>
      %convert_element_type3A_187 = arith.extui %eq3A_186 : vector<32x32xi1> to vector<32x32xi32>
      %convert_element_type3A_188 = arith.sitofp %convert_element_type3A_187 : vector<32x32xi32> to vector<32x32xf32>
      %add3A_189 = arith.addf %dot_general3A_183, %convert_element_type3A_188 : vector<32x32xf32>
      %reduce_sum3A = arith.constant dense<0.000000e+00> : vector<32xf32>
      %reduce_sum3A_190 = vector.multi_reduction <add>, %add3A_189, %reduce_sum3A [1] : vector<32x32xf32> to vector<32xf32>
      %rsqrt3A = math.rsqrt %reduce_sum3A_190 : vector<32xf32>
      %broadcast_in_dim3A_191 = vector.shape_cast %rsqrt3A : vector<32xf32> to vector<32x1xf32>
      %mul3A_192 = vector.broadcast %broadcast_in_dim3A_191 : vector<32x1xf32> to vector<32x32xf32>
      %mul3A_193 = arith.mulf %mul3A_192, %add3A_189 : vector<32x32xf32>
      %broadcast_in_dim3A_194 = vector.shape_cast %rsqrt3A : vector<32xf32> to vector<1x32xf32>
      %mul3A_195 = vector.broadcast %broadcast_in_dim3A_194 : vector<1x32xf32> to vector<32x32xf32>
      %mul3A_196 = arith.mulf %mul3A_193, %mul3A_195 : vector<32x32xf32>
      %get3A_197 = arith.constant 0 : index
      %get3A_198 = arith.constant 0 : index
      %get3A_199 = vector.load %arg6[%get3A_197, %get3A_198] : memref<128x128xf32, #tpu.memory_space<vmem>>, vector<128x128xf32>
      %dot_general3A_200 = arith.constant dense<0.000000e+00> : vector<32x128xf32>
      %dot_general3A_201 = tpu.matmul %mul3A_165, %get3A_199, %dot_general3A_200 {dimension_numbers = #tpu.dot_dimension_numbers<[1], [0], [0], [1], [0, 0, 1, 1], [], []>, transpose_lhs_hint = false} : vector<32x128xf32>, vector<128x128xf32>, vector<32x128xf32> -> vector<32x128xf32>
      %dot_general3A_202 = arith.constant dense<0.000000e+00> : vector<32x128xf32>
      %dot_general3A_203 = tpu.matmul %mul3A_196, %dot_general3A_201, %dot_general3A_202 {dimension_numbers = #tpu.dot_dimension_numbers<[1], [0], [0], [1], [0, 0, 1, 1], [], []>, transpose_lhs_hint = false} : vector<32x32xf32>, vector<32x128xf32>, vector<32x128xf32> -> vector<32x128xf32>
      %get3A_204 = arith.constant 0 : index
      %get3A_205 = vector.load %arg7[%get3A_204] : memref<128xf32, #tpu.memory_space<vmem>>, vector<128xf32>
      %broadcast_in_dim3A_206 = vector.shape_cast %get3A_205 : vector<128xf32> to vector<1x128xf32>
      %add3A_207 = vector.broadcast %broadcast_in_dim3A_206 : vector<1x128xf32> to vector<32x128xf32>
      %add3A_208 = arith.addf %dot_general3A_203, %add3A_207 : vector<32x128xf32>
      %max3A = arith.constant 0.000000e+00 : f32
      %max3A_209 = vector.broadcast %max3A : f32 to vector<32x128xf32>
      %max3A_210 = arith.maximumf %add3A_208, %max3A_209 : vector<32x128xf32>
      %get3A_211 = arith.constant 0 : index
      %get3A_212 = arith.constant 0 : index
      %get3A_213 = vector.load %arg8[%get3A_211, %get3A_212] : memref<128x64xf32, #tpu.memory_space<vmem>>, vector<128x64xf32>
      %dot_general3A_214 = arith.constant dense<0.000000e+00> : vector<32x64xf32>
      %dot_general3A_215 = tpu.matmul %max3A_210, %get3A_213, %dot_general3A_214 {dimension_numbers = #tpu.dot_dimension_numbers<[1], [0], [0], [1], [0, 0, 1, 1], [], []>, transpose_lhs_hint = false} : vector<32x128xf32>, vector<128x64xf32>, vector<32x64xf32> -> vector<32x64xf32>
      %dot_general3A_216 = arith.constant dense<0.000000e+00> : vector<32x64xf32>
      %dot_general3A_217 = tpu.matmul %mul3A_196, %dot_general3A_215, %dot_general3A_216 {dimension_numbers = #tpu.dot_dimension_numbers<[1], [0], [0], [1], [0, 0, 1, 1], [], []>, transpose_lhs_hint = false} : vector<32x32xf32>, vector<32x64xf32>, vector<32x64xf32> -> vector<32x64xf32>
      %get3A_218 = arith.constant 0 : index
      %get3A_219 = vector.load %arg9[%get3A_218] : memref<64xf32, #tpu.memory_space<vmem>>, vector<64xf32>
      %broadcast_in_dim3A_220 = vector.shape_cast %get3A_219 : vector<64xf32> to vector<1x64xf32>
      %add3A_221 = vector.broadcast %broadcast_in_dim3A_220 : vector<1x64xf32> to vector<32x64xf32>
      %add3A_222 = arith.addf %dot_general3A_217, %add3A_221 : vector<32x64xf32>
      %get3A_223 = arith.constant 0 : index
      %get3A_224 = arith.constant 0 : index
      %get3A_225 = vector.load %arg10[%get3A_223, %get3A_224] : memref<64x32xf32, #tpu.memory_space<vmem>>, vector<64x32xf32>
      %dot_general3A_226 = arith.constant dense<0.000000e+00> : vector<32x32xf32>
      %dot_general3A_227 = tpu.matmul %add3A_222, %get3A_225, %dot_general3A_226 {dimension_numbers = #tpu.dot_dimension_numbers<[1], [0], [0], [1], [0, 0, 1, 1], [], []>, transpose_lhs_hint = false} : vector<32x64xf32>, vector<64x32xf32>, vector<32x32xf32> -> vector<32x32xf32>
      %get3A_228 = arith.constant 0 : index
      %get3A_229 = vector.load %arg11[%get3A_228] : memref<32xf32, #tpu.memory_space<vmem>>, vector<32xf32>
      %broadcast_in_dim3A_230 = vector.shape_cast %get3A_229 : vector<32xf32> to vector<1x32xf32>
      %add3A_231 = vector.broadcast %broadcast_in_dim3A_230 : vector<1x32xf32> to vector<32x32xf32>
      %add3A_232 = arith.addf %dot_general3A_227, %add3A_231 : vector<32x32xf32>
      %reduce_max3A = arith.constant dense<0xFF800000> : vector<32xf32>
      %reduce_max3A_233 = vector.multi_reduction <maximumf>, %add3A_232, %reduce_max3A [1] : vector<32x32xf32> to vector<32xf32>
      %broadcast_in_dim3A_234 = vector.shape_cast %reduce_max3A_233 : vector<32xf32> to vector<32x1xf32>
      %sub3A = vector.broadcast %broadcast_in_dim3A_234 : vector<32x1xf32> to vector<32x32xf32>
      %sub3A_235 = arith.subf %add3A_232, %sub3A : vector<32x32xf32>
      %exp3A = math.exp %sub3A_235 : vector<32x32xf32>
      %reduce_sum3A_236 = arith.constant dense<0.000000e+00> : vector<32xf32>
      %reduce_sum3A_237 = vector.multi_reduction <add>, %exp3A, %reduce_sum3A_236 [1] : vector<32x32xf32> to vector<32xf32>
      %broadcast_in_dim3A_238 = vector.shape_cast %reduce_sum3A_237 : vector<32xf32> to vector<32x1xf32>
      %log3A = math.log %broadcast_in_dim3A_238 : vector<32x1xf32>
      %add3A_239 = arith.addf %broadcast_in_dim3A_234, %log3A : vector<32x1xf32>
      %sub3A_240 = vector.broadcast %add3A_239 : vector<32x1xf32> to vector<32x32xf32>
      %sub3A_241 = arith.subf %add3A_232, %sub3A_240 : vector<32x32xf32>
      %swap3A_242 = arith.constant 0 : index
      %swap3A_243 = arith.constant 0 : index
      %swap3A_244 = vector.load %arg12[%swap3A_242, %swap3A_243] : memref<32x32xf32, #tpu.memory_space<vmem>>, vector<32x32xf32>
      tpu.vector_store %arg12[%swap3A_242, %swap3A_243], %sub3A_241 {strides = array<i32>} : memref<32x32xf32, #tpu.memory_space<vmem>>, vector<32x32xf32>,
    } else {
    }
    return
  }
  func.func @transform_0(%arg0: i32) -> (i32, i32) {
    %c0_i32 = arith.constant 0 : i32
    %c0_i32_0 = arith.constant 0 : i32
    %c0_i32_1 = arith.constant 0 : i32
    return %c0_i32, %c0_i32_0 : i32, i32
  }
  func.func @transform_1(%arg0: i32) -> (i32, i32, i32) {
    %c0_i32 = arith.constant 0 : i32
    %c0_i32_0 = arith.constant 0 : i32
    %c0_i32_1 = arith.constant 0 : i32
    return %arg0, %c0_i32, %c0_i32_0 : i32, i32, i32
  }
  func.func @transform_2(%arg0: i32) -> (i32, i32) {
    %c0_i32 = arith.constant 0 : i32
    %c0_i32_0 = arith.constant 0 : i32
    %c0_i32_1 = arith.constant 0 : i32
    return %c0_i32, %c0_i32_0 : i32, i32
  }
  func.func @transform_3(%arg0: i32) -> (i32, i32) {
    %c0_i32 = arith.constant 0 : i32
    %c0_i32_0 = arith.constant 0 : i32
    %c0_i32_1 = arith.constant 0 : i32
    return %c0_i32, %c0_i32_0 : i32, i32
  }
  func.func @transform_4(%arg0: i32) -> i32 {
    %c0_i32 = arith.constant 0 : i32
    %c0_i32_0 = arith.constant 0 : i32
    return %c0_i32 : i32
  }
  func.func @transform_5(%arg0: i32) -> (i32, i32) {
    %c0_i32 = arith.constant 0 : i32
    %c0_i32_0 = arith.constant 0 : i32
    %c0_i32_1 = arith.constant 0 : i32
    return %c0_i32, %c0_i32_0 : i32, i32
  }
  func.func @transform_6(%arg0: i32) -> i32 {
    %c0_i32 = arith.constant 0 : i32
    %c0_i32_0 = arith.constant 0 : i32
    return %c0_i32 : i32
  }
  func.func @transform_7(%arg0: i32) -> (i32, i32) {
    %c0_i32 = arith.constant 0 : i32
    %c0_i32_0 = arith.constant 0 : i32
    %c0_i32_1 = arith.constant 0 : i32
    return %c0_i32, %c0_i32_0 : i32, i32
  }
  func.func @transform_8(%arg0: i32) -> i32 {
    %c0_i32 = arith.constant 0 : i32
    %c0_i32_0 = arith.constant 0 : i32
    return %c0_i32 : i32
  }
  func.func @transform_9(%arg0: i32) -> (i32, i32) {
    %c0_i32 = arith.constant 0 : i32
    %c0_i32_0 = arith.constant 0 : i32
    %c0_i32_1 = arith.constant 0 : i32
    return %c0_i32, %c0_i32_0 : i32, i32
  }
  func.func @transform_10(%arg0: i32) -> i32 {
    %c0_i32 = arith.constant 0 : i32
    %c0_i32_0 = arith.constant 0 : i32
    return %c0_i32 : i32
  }
  func.func @transform_11(%arg0: i32) -> (i32, i32) {
    %c0_i32 = arith.constant 0 : i32
    %c0_i32_0 = arith.constant 0 : i32
    %c0_i32_1 = arith.constant 0 : i32
    return %c0_i32, %c0_i32_0 : i32, i32
  }
}

</mosaic_0001>

<sc_bundles>
// kernel: kernel.4.cloned.1.call-start
scs
__scs_entry_jumppad:
0x0: {  	(pc) =	sbr.rel $0x88, $3  }
0x1: {  	(tag) =	ssettag $0x0;
	lr =	simm.s32 $0x1  }
0x2: {  	[smem:$0x3F96] =	sst lr;
	_ =	strace $0xD0000000  }
0x3: {  	_ = 	snop  }
0x4: {  	_ = 	snop  }
0x5: {  	_ = 	snop  }
0x6: {  	_ = 	snop  }
0x7: {  	_ = 	snop  }
__scs_overlays_trampoline_lowered:
0x8: {  	[smem:$0x3FA5] =	sst s0  }
0x9: {  	[smem:$0x3FA6] =	sst s1  }
0xa: {  	[smem:$0x3FA7] =	sst s2  }
0xb: {  	[smem:$0x3FA8] =	sst s3  }
0xc: {  	[smem:$0x3FA9] =	sst s4  }
0xd: {  	[smem:$0x3FAA] =	sst s5  }
0xe: {  	[smem:$0x3FAB] =	sst s6  }
0xf: {  	[smem:$0x3FAC] =	sst s7  }
0x10: {  	[smem:$0x3FAD] =	sst s8  }
0x11: {  	[smem:$0x3FAE] =	sst s9;
	s0 =	simm.s32 @!p0 $0x0  }
0x12: {  	s1 =	sld [smem:$0x3F94];
	s0 =	simm.s32 @p0 $0x1  }
0x13: {  	[smem:$0x3FAF] =	sst s0;
	s0 =	simm.s32 @!p1 $0x0  }
0x14: {  	s2 =	sld [smem:$0x3F93];
	s0 =	simm.s32 @p1 $0x1  }
0x15: {  	[smem:$0x3FB0] =	sst s0;
	s0 =	simm.s32 @!p2 $0x0  }
0x16: {  	s3 =	sld [smem:$0x3FDB];
	s0 =	simm.s32 @p2 $0x1  }
0x17: {  	s4 =	simm.s32 $0x1BF5;
	[smem:$0x3FB2] =	sst s0  }
0x18: {  	s0 =	sld [smem:$0x3F95];
	_ =	swait.ge [sflag:s4], $0x0  }
0x19: {  	s7 =	sld [smem:$0x3F96]  }
0x1a: {  	s8 =	sadd.s32 $0xFFFFE003, lr  }
0x1b: {  	s9 =	sadd.s32 $0xFFFFFEF7, lr;
	s5 =	simm.s32 $0xFFFFFFFF;
	p2 =	slt.u32 s8, $0xFFFFF086  }
0x1c: {  	p1 =	slt.u32 s9, $0xF7A;
	s5 =	simm.s32 @!p2 $0x0  }
0x1d: {  	s5 =	simm.s32 @p1 $0x1;
	p0 =	seq.s32 s7, s2  }
0x1e: {  	s7 =	smul.u32 @!p0 $0xF7A, s2;
	p2 =	seq.s32 @!p0 s5, $0x0  }
0x1f: {  	s9 =	smul.u32 $0xF7A, s1;
	s8 =	simm.s32 @!p0 $0x1BF5;
	p2 =	por !p2, p0  }
0x20: {  	[sflag:s8] =	ssyncset.s32 @!p0 $0xFFFFF086;
	s6 =	sadd.s32 @!p0 s3, s7;
	s7 =	simm.s32 @!p0 $0x108  }
0x21: {  	s3 =	sadd.s32 s3, s9;
	s6 =	sadd.s32 @!p0 $0x88, s6;
	s7 =	simm.s32 @p2 $0x1082  }
0x22: {  	[simem:s7], [sflag:s8] =	dma.local @!p0 [hbm:s6], $0xF7A  }
0x23: {  	s9 =	sor.u32 $0xD0000000, s2;
	s6 =	simm.s32 $0x108;
	_ =	swait.ge @!p0 [sflag:s8], $0x0  }
0x24: {  	s3 =	sadd.s32 $0x88, s3;
	s6 =	simm.s32 @!p1 $0x1082;
	[sflag:s4] =	ssyncset.s32 $0xFFFFF086  }
0x25: {  	[simem:s6], [sflag:s4] =	dma.local [hbm:s3], $0xF7A  }
0x26: {  	[smem:$0x3F96] =	sst s1;
	(tag) =	ssettag s2;
	_ =	strace s9  }
0x27: {  	s1 =	sld [smem:$0x3FA6]  }
0x28: {  	s2 =	sld [smem:$0x3FA7]  }
0x29: {  	s4 =	sld [smem:$0x3FA9]  }
0x2a: {  	p0 =	seq.s32 s5, $0x0;
	s5 =	sld [smem:$0x3FAA]  }
0x2b: {  	s6 =	sld [smem:$0x3FAB]  }
0x2c: {  	s7 =	sld [smem:$0x3FAC]  }
0x2d: {  	s3 =	simm.s32 $0x108;
	s8 =	sld [smem:$0x3FAD]  }
0x2e: {  	s3 =	simm.s32 @!p0 $0x1082;
	s9 =	sld [smem:$0x3FAE]  }
0x2f: {  	lr =	sadd.s32 s0, s3;
	s0 =	sld [smem:$0x3FA5]  }
0x30: {  	s3 =	sld [smem:$0x3FA8]  }
0x31: {  	[smem:$0x3FB1] =	sst s10  }
0x32: {  	s10 =	sld [smem:$0x3FAF];
	_ =	sdelay $0x3  }
0x33: {  	p0 =	seq.s32 s10, $0x1;
	s10 =	sld [smem:$0x3FB1];
	_ =	sdelay $0x3  }
0x34: {  	[smem:$0x3FB1] =	sst s10  }
0x35: {  	s10 =	sld [smem:$0x3FB0];
	_ =	sdelay $0x3  }
0x36: {  	p1 =	seq.s32 s10, $0x1;
	s10 =	sld [smem:$0x3FB1];
	_ =	sdelay $0x3  }
0x37: {  	[smem:$0x3FB1] =	sst s10  }
0x38: {  	s10 =	sld [smem:$0x3FB2]  }
0x39: {  	_ = 	snop;
	(pc) =	sbr.ind lr, $3  }
0x3a: {  	_ = 	snop  }
0x3b: {  	_ = 	snop  }
0x3c: {  	p2 =	seq.s32 s10, $0x1;
	s10 =	sld [smem:$0x3FB1]  }
0x3d: {  	_ =	shalt  }
0x3e: {  	_ =	shalt  }
0x3f: {  	_ =	shalt  }
0x40: {  	_ =	shalt  }
0x41: {  	_ =	shalt  }
0x42: {  	_ =	shalt  }
0x43: {  	_ =	shalt  }
0x44: {  	_ =	shalt  }
0x45: {  	_ =	shalt  }
0x46: {  	_ =	shalt  }
0x47: {  	_ =	shalt  }
0x48: {  	_ =	shalt  }
0x49: {  	_ =	shalt  }
0x4a: {  	_ =	shalt  }
0x4b: {  	_ =	shalt  }
0x4c: {  	_ =	shalt  }
0x4d: {  	_ =	shalt  }
0x4e: {  	_ =	shalt  }
0x4f: {  	_ =	shalt  }
0x50: {  	_ =	shalt  }
0x51: {  	_ =	shalt  }
0x52: {  	_ =	shalt  }
0x53: {  	_ =	shalt  }
0x54: {  	_ =	shalt  }
0x55: {  	_ =	shalt  }
0x56: {  	_ =	shalt  }
0x57: {  	_ =	shalt  }
0x58: {  	_ =	shalt  }
0x59: {  	_ =	shalt  }
0x5a: {  	_ =	shalt  }
0x5b: {  	_ =	shalt  }
0x5c: {  	_ =	shalt  }
0x5d: {  	_ =	shalt  }
0x5e: {  	_ =	shalt  }
0x5f: {  	_ =	shalt  }
0x60: {  	_ =	shalt  }
0x61: {  	_ =	shalt  }
0x62: {  	_ =	shalt  }
0x63: {  	_ =	shalt  }
0x64: {  	_ =	shalt  }
0x65: {  	_ =	shalt  }
0x66: {  	_ =	shalt  }
0x67: {  	_ =	shalt  }
0x68: {  	_ =	shalt  }
0x69: {  	_ =	shalt  }
0x6a: {  	_ =	shalt  }
0x6b: {  	_ =	shalt  }
0x6c: {  	_ =	shalt  }
0x6d: {  	_ =	shalt  }
0x6e: {  	_ =	shalt  }
0x6f: {  	_ =	shalt  }
0x70: {  	_ =	shalt  }
0x71: {  	_ =	shalt  }
0x72: {  	_ =	shalt  }
0x73: {  	_ =	shalt  }
0x74: {  	_ =	shalt  }
0x75: {  	_ =	shalt  }
0x76: {  	_ =	shalt  }
0x77: {  	_ =	shalt  }
0x78: {  	_ =	shalt  }
0x79: {  	_ =	shalt  }
0x7a: {  	_ =	shalt  }
0x7b: {  	_ =	shalt  }
0x7c: {  	_ =	shalt  }
0x7d: {  	_ =	shalt  }
0x7e: {  	_ =	shalt  }
0x7f: {  	_ =	shalt  }
0x80: {  	_ =	shalt  }
0x81: {  	_ =	shalt  }
0x82: {  	_ =	shalt  }
0x83: {  	_ =	shalt  }
0x84: {  	_ =	shalt  }
0x85: {  	_ =	shalt  }
0x86: {  	_ =	shalt  }
0x87: {  	_ =	shalt  }
.Lfunc_end0:
.L_simem_size_0:
called_computation_lowered:
.L_overlay_start_0:
0x88: {  	s2 =	sld [smem:$0x3FD9]  }
0x89: {  	s3 =	sld [smem:$0x3FFE];
	_ =	sdelay $0x1  }
0x8a: {  	s1 =	srdreg.scid  }
0x8b: {  	s0 =	sand.u32 $0x1, s1  }
0x8c: {  	s17 =	sshll.u32 s0, $0xA;
	s2 =	sadd.s32 s3, s2  }
0x8d: {  	s2 =	sadd.s32 s2, s17  }
0x8e: {  	[smem:$0x3FBD] =	sst s2  }
0x8f: {  	_ = 	snop  }
0x90: {  	s2 =	sld [smem:$0x3FC8];
	(tm) =	ssettm $0x1  }
0x91: {  	s18 =	sld [smem:$0x3FFB];
	_ =	sdelay $0x3  }
0x92: {  	_ =	strace s18  }
0x93: {  	s3 =	sld [smem:$0x3FFC];
	_ =	sdelay $0x3  }
0x94: {  	_ =	strace s3  }
0x95: {  	s3 =	sld [smem:$0x3FFD];
	_ =	sdelay $0x3  }
0x96: {  	_ =	strace s3  }
0x97: {  	_ =	strace $0x8FFFFFFF  }
0x98: {  	s19 =	sld [smem:$0x3FDB];
	_ =	sdelay $0x1  }
0x99: {  	s4 =	simm.s32 $_scs_section_size  }
0x9a: {  	s5 =	simm.s32 $_size__tile_overlayer_lowered;
	s6 =	simm.s32 $_tile_overlayer_lowered  }
0x9b: {  	s22 =	simm.s32 $0x1BFF;
	s21 =	sshll.u32 s6, $0x1;
	s3 =	sadd.s32 s4, s19  }
0x9c: {  	s7 =	simm.s32 $0x0;
	s20 =	sshll.u32 s5, $0x1;
	s5 =	sadd.s32 s21, s3  }
0x9d: {  	[timem:s7], [sflag:s22] =	dma.local [hbm:s5], s20  }
0x9e: {  	_ =	swait.ge [sflag:s22], s20  }
0x9f: {  	s4 =	ssub.s32 $0x0, s20;
	[sflag:s22] =	ssyncset.done $0x0  }
0xa0: {  	[sflag:s22] =	ssyncadd.s32 s4;
	_ =	sdelay $0x1  }
0xa1: {  	s23 =	simm.s32 $0x1B8B  }
0xa2: {  	_ =	swait.ge [sflag:s23], $0x1  }
0xa3: {  	[sflag:s23] =	ssyncset.done $0x0  }
0xa4: {  	s25 =	simm.s32 $0x1B8E;
	s24 =	sld [smem:$0x3FFE];
	[sflag:s23] =	ssyncadd.s32 $0xFFFFFFFF  }
0xa5: {  	s26 =	simm.s32 $execute0_lowered;
	[smem:$0x3FD2] =	sst s25  }
0xa6: {  	s5 =	sshll.u32 s26, $0x1;
	_ =	strace $0x80000046;
	[dreg:$0x1] =	wrdreg $0xFFFFFFFF  }
0xa7: {  	s28 =	simm.s32 $_size_execute0_lowered;
	s3 =	sadd.s32 s3, s5;
	[dreg:$0x0] =	wrdreg $0x0  }
0xa8: {  	s5 =	sshll.u32 s28, $0x1;
	[dreg:$0x2] =	wrdreg s3  }
0xa9: {  	[dreg:$0x3] =	wrdreg s5  }
0xaa: {  	[dreg:$0x4] =	wrdreg $0xC0  }
0xab: {  	_ =	task [dreg:s7], $0x5FFFF  }
0xac: {  	[dreg:$0x1] =	wrdreg $0xFFFFFFFF  }
0xad: {  	[dreg:$0x0] =	wrdreg $0x60  }
0xae: {  	[dreg:$0x2] =	wrdreg s2  }
0xaf: {  	[dreg:$0x3] =	wrdreg s24  }
0xb0: {  	[dreg:$0x4] =	wrdreg $0x9  }
0xb1: {  	_ =	task.clear_ibuf [dreg:s7], $0x5FFFF;
	_ =	strace $0x90000046  }
0xb2: {  	s29 =	simm.s32 $0x9;
	_ =	strace $0x80000048  }
0xb3: {  	_ =	swait.ge [sflag:s29], $0x1  }
0xb4: {  	[sflag:s29] =	ssyncadd.s32 $0xFFFFFFFF  }
0xb5: {  	_ =	strace $0x90000048  }
0xb6: {  	_ =	sfence  }
0xb7: {  	s30 =	sld [smem:$0x0];
	_ =	sdelay $0x2  }
0xb8: {  	s31 =	sshll.u32 s1, $0xD;
	s1 =	sshrl.u32 s1, $0x2  }
0xb9: {  	s3 =	sand.u32 $0x4000, s31;
	s1 =	sadd.s32 s1, s30  }
0xba: {  	s0 =	sor.u32 s3, s0;
	s1 =	sshll.u32 s1, $0x11  }
0xbb: {  	s0 =	sor.u32 s1, s0  }
0xbc: {  	s0 =	sadd.s32 $0x8F2B, s0  }
0xbd: {  	[sflag:s0] =	ssyncadd.remote.s32 $0x1  }
0xbe: {  	_ =	sfence.sel $0xFFFF  }
0xbf: {  	[dreg:$0x0] =	wrdreg $0xFFFFFFFF;
	(pc) =	sbr.abs _section_cstart, $3  }
0xc0: {  	[dreg:$0x1] =	wrdreg $0xFFFFFFFF  }
0xc1: {  	_ =	task.clear_ibuf [dreg:s7], $0x2FFFF;
	_ =	strace $0x9FFFFFFF  }
0xc2: {  	(tm) =	ssettm $0x7FFFFFFF  }
0xc3: {  	_ =	shalt  }
tec
execute0_lowered:
.L_overlay_start_1:
0x0: {  	(tag) =	ssettag $0x1  }
0x1: {  	s3 =	rddreg [dreg:$0x0]  }
0x2: {  	s4 =	rddreg [dreg:$0x1]  }
0x3: {  	s0 =	rddreg [dreg:$0x2]  }
0x4: {  	s2 =	simm.s32 $0x0;
	s1 =	stileid.u32;
	s5 =	srdreg.scid  }
0x5: {  	s9 =	simm.s32 $0x18000;
	s10 =	simm.s32 $0x80;
	s11 =	simm.s32 $0x400  }
0x6: {  	s12 =	simm.s32 $0x19000;
	s13 =	simm.s32 $0x2;
	s14 =	simm.s32 $0x0  }
0x7: {  	[smem:$0x7FF] =	sst s2;
	s5 =	sand.u32 $0x1, s5;
	s6 =	sshll.u32 s1, $0x1  }
0x8: {  	s7 =	sshll.u32 s1, $0x9;
	_ =	strace $0x80000047;
	s6 =	sor.u32 s5, s6  }
0x9: {  	s7 =	sand.u32 $0x1800, s7;
	s5 =	ssub.s32 $0x2, s5;
	s8 =	sshll.u32 s6, $0x4  }
0xa: {  	s4 =	sadd.s32 s7, s4;
	s31 =	sshrl.u32 s5, $0x1;
	s6 =	sshll.u32 s6, $0xC  }
0xb: {  	s7 =	simm.s32 $0x8000;
	s8 =	sand.u32 $0x70, s8;
	s5 =	ssub.s32 s5, s31  }
0xc: {  	v1 =	vlaneseq.u32;
	s3 =	sadd.s32 s3, s6;
	s6 =	simm.s32 $0x1;
	s4 =	sadd.s32 s8, s4  }
0xd: {  	v0 =	vimm.f32 $0.0e+00;
	v2 =	vimm.f32 $1.000000000e+00;
	v1 =	vmul.u32 $0x800, v1;
	s5 =	smax.u32 s5, $0x1;
	s8 =	simm.s32 $0x10000;
	s4 =	sadd.s32 $0x1400, s4  }
.LBB2_1:
0xe: {  	[tilespmem:s2], [sflag:$0x1] =	stream.linear.gather [hbm4b:s3+s2], $0x8000, $0x38;
	[tilespmem:$0x19800] =	vst v63  }
0xf: {  	s15 =	simm.s32 $0x0;
	s16 =	simm.s32 $0x40  }
.LBB2_2:
0x10: {  	p0 =	sne.s32 s16, $0x1FC0;
	[tilespmem:s15+$0x17800] =	vst v0  }
0x11: {  	[tilespmem:s15+$0x8000] =	vst v0  }
0x12: {  	[tilespmem:s15+$0x10000] =	vst v0  }
0x13: {  	[tilespmem:s15+$0x8800] =	vst v0  }
0x14: {  	[tilespmem:s15+$0x10800] =	vst v0  }
0x15: {  	[tilespmem:s15+$0x9000] =	vst v0  }
0x16: {  	[tilespmem:s15+$0x11000] =	vst v0  }
0x17: {  	[tilespmem:s15+$0x9800] =	vst v0  }
0x18: {  	[tilespmem:s15+$0x11800] =	vst v0  }
0x19: {  	[tilespmem:s15+$0xA000] =	vst v0  }
0x1a: {  	[tilespmem:s15+$0x12000] =	vst v0  }
0x1b: {  	[tilespmem:s15+$0xA800] =	vst v0  }
0x1c: {  	[tilespmem:s15+$0x12800] =	vst v0  }
0x1d: {  	[tilespmem:s15+$0xB000] =	vst v0  }
0x1e: {  	[tilespmem:s15+$0x13000] =	vst v0  }
0x1f: {  	[tilespmem:s15+$0xB800] =	vst v0  }
0x20: {  	[tilespmem:s15+$0x13800] =	vst v0  }
0x21: {  	[tilespmem:s15+$0xC000] =	vst v0  }
0x22: {  	[tilespmem:s15+$0x14000] =	vst v0  }
0x23: {  	[tilespmem:s15+$0xC800] =	vst v0  }
0x24: {  	[tilespmem:s15+$0x14800] =	vst v0  }
0x25: {  	[tilespmem:s15+$0xD000] =	vst v0  }
0x26: {  	[tilespmem:s15+$0x15000] =	vst v0  }
0x27: {  	[tilespmem:s15+$0xD800] =	vst v0  }
0x28: {  	[tilespmem:s15+$0x15800] =	vst v0  }
0x29: {  	[tilespmem:s15+$0xE000] =	vst v0  }
0x2a: {  	[tilespmem:s15+$0x16000] =	vst v0  }
.Ltmp0:
0x2b: {  	[tilespmem:s15+$0xE800] =	vst v0;
	(pc) =	sbr.rel @p0 .LBB2_2-.Ltmp0, $4  }
0x2c: {  	[tilespmem:s15+$0x16800] =	vst v0  }
0x2d: {  	[tilespmem:s15+$0xF000] =	vst v0  }
0x2e: {  	[tilespmem:s15+$0x17000] =	vst v0  }
0x2f: {  	[tilespmem:s15+$0xF800] =	vst v0;
	s15 =	sshra.s32 s16, $0x2;
	s16 =	sadd.s32 $0x40, s16  }
0x30: {  	[tilespmem:s15+$0x17800] =	vst v0  }
0x31: {  	[tilespmem:s15+$0x8000] =	vst v0  }
0x32: {  	[tilespmem:s15+$0x10000] =	vst v0  }
0x33: {  	[tilespmem:s15+$0x8800] =	vst v0  }
0x34: {  	[tilespmem:s15+$0x10800] =	vst v0  }
0x35: {  	[tilespmem:s15+$0x9000] =	vst v0  }
0x36: {  	[tilespmem:s15+$0x11000] =	vst v0  }
0x37: {  	[tilespmem:s15+$0x9800] =	vst v0  }
0x38: {  	[tilespmem:s15+$0x11800] =	vst v0  }
0x39: {  	[tilespmem:s15+$0xA000] =	vst v0  }
0x3a: {  	[tilespmem:s15+$0x12000] =	vst v0  }
0x3b: {  	[tilespmem:s15+$0xA800] =	vst v0  }
0x3c: {  	[tilespmem:s15+$0x12800] =	vst v0  }
0x3d: {  	[tilespmem:s15+$0xB000] =	vst v0  }
0x3e: {  	[tilespmem:s15+$0x13000] =	vst v0  }
0x3f: {  	[tilespmem:s15+$0xB800] =	vst v0  }
0x40: {  	[tilespmem:s15+$0x13800] =	vst v0  }
0x41: {  	[tilespmem:s15+$0xC000] =	vst v0  }
0x42: {  	[tilespmem:s15+$0x14000] =	vst v0  }
0x43: {  	[tilespmem:s15+$0xC800] =	vst v0  }
0x44: {  	[tilespmem:s15+$0x14800] =	vst v0  }
0x45: {  	[tilespmem:s15+$0xD000] =	vst v0  }
0x46: {  	[tilespmem:s15+$0x15000] =	vst v0  }
0x47: {  	[tilespmem:s15+$0xD800] =	vst v0  }
0x48: {  	[tilespmem:s15+$0x15800] =	vst v0  }
0x49: {  	[tilespmem:s15+$0xE000] =	vst v0  }
0x4a: {  	[tilespmem:s15+$0x16000] =	vst v0  }
0x4b: {  	[tilespmem:s15+$0xE800] =	vst v0  }
0x4c: {  	[tilespmem:s15+$0x16800] =	vst v0  }
0x4d: {  	[tilespmem:s15+$0xF000] =	vst v0  }
0x4e: {  	[tilespmem:s15+$0x17000] =	vst v0  }
0x4f: {  	[tilespmem:s15+$0xF800] =	vst v0  }
0x50: {  	_ =	swait.ge [sflag:s6], $0x8000  }
0x51: {  	[sflag:s6] =	ssyncset.done $0x0  }
0x52: {  	s15 =	simm.s32 $0x0;
	[sflag:s6] =	ssyncadd.s32 $0xFFFF8000  }
.LBB2_4:
0x53: {  	s16 =	sshra.s32 s15, $0x2  }
0x54: {  	v3 =	vld [tilespmem:s16+$0x80];
	_ =	sdelay $0x4  }
0x55: {  	v3 =	vadd.s32 v1, v3;
	_ =	sdelay $0x4  }
0x56: {  	[tilespmem:v3+s7+$0x0] =	vst.idx.add.f32.msk $0xffff, v2  }
0x57: {  	v3 =	vld [tilespmem:s16+$0x90];
	_ =	sdelay $0x4  }
0x58: {  	v3 =	vadd.s32 v1, v3;
	_ =	sdelay $0x4  }
0x59: {  	[tilespmem:v3+s8+$0x0] =	vst.idx.add.f32.msk $0xffff, v2  }
0x5a: {  	v3 =	vld [tilespmem:s16+$0xA0];
	_ =	sdelay $0x4  }
0x5b: {  	v3 =	vadd.s32 v1, v3;
	_ =	sdelay $0x4  }
0x5c: {  	[tilespmem:v3+s7+$0x0] =	vst.idx.add.f32.msk $0xffff, v2  }
0x5d: {  	v3 =	vld [tilespmem:s16+$0xB0];
	_ =	sdelay $0x4  }
0x5e: {  	v3 =	vadd.s32 v1, v3;
	_ =	sdelay $0x4  }
0x5f: {  	[tilespmem:v3+s8+$0x0] =	vst.idx.add.f32.msk $0xffff, v2  }
0x60: {  	v3 =	vld [tilespmem:s16+$0xC0];
	_ =	sdelay $0x4  }
0x61: {  	v3 =	vadd.s32 v1, v3;
	_ =	sdelay $0x4  }
0x62: {  	[tilespmem:v3+s7+$0x0] =	vst.idx.add.f32.msk $0xffff, v2  }
0x63: {  	v3 =	vld [tilespmem:s16+$0xD0];
	_ =	sdelay $0x4  }
0x64: {  	v3 =	vadd.s32 v1, v3;
	_ =	sdelay $0x4  }
0x65: {  	[tilespmem:v3+s8+$0x0] =	vst.idx.add.f32.msk $0xffff, v2  }
0x66: {  	v3 =	vld [tilespmem:s16+$0xE0];
	_ =	sdelay $0x4  }
0x67: {  	v3 =	vadd.s32 v1, v3;
	_ =	sdelay $0x4  }
0x68: {  	[tilespmem:v3+s7+$0x0] =	vst.idx.add.f32.msk $0xffff, v2  }
0x69: {  	v3 =	vld [tilespmem:s16+$0xF0];
	_ =	sdelay $0x4  }
0x6a: {  	v3 =	vadd.s32 v1, v3;
	_ =	sdelay $0x4  }
0x6b: {  	[tilespmem:v3+s8+$0x0] =	vst.idx.add.f32.msk $0xffff, v2  }
0x6c: {  	v3 =	vld [tilespmem:s16+$0x180];
	_ =	sdelay $0x4  }
0x6d: {  	v3 =	vadd.s32 v1, v3;
	_ =	sdelay $0x4  }
0x6e: {  	[tilespmem:v3+s7+$0x0] =	vst.idx.add.f32.msk $0xffff, v2  }
0x6f: {  	v3 =	vld [tilespmem:s16+$0x190];
	_ =	sdelay $0x4  }
0x70: {  	v3 =	vadd.s32 v1, v3;
	_ =	sdelay $0x4  }
0x71: {  	[tilespmem:v3+s8+$0x0] =	vst.idx.add.f32.msk $0xffff, v2  }
0x72: {  	v3 =	vld [tilespmem:s16+$0x1A0];
	_ =	sdelay $0x4  }
0x73: {  	v3 =	vadd.s32 v1, v3;
	_ =	sdelay $0x4  }
0x74: {  	[tilespmem:v3+s7+$0x0] =	vst.idx.add.f32.msk $0xffff, v2  }
0x75: {  	v3 =	vld [tilespmem:s16+$0x1B0];
	_ =	sdelay $0x4  }
0x76: {  	v3 =	vadd.s32 v1, v3;
	_ =	sdelay $0x4  }
0x77: {  	[tilespmem:v3+s8+$0x0] =	vst.idx.add.f32.msk $0xffff, v2  }
0x78: {  	v3 =	vld [tilespmem:s16+$0x1C0];
	_ =	sdelay $0x4  }
0x79: {  	v3 =	vadd.s32 v1, v3;
	_ =	sdelay $0x4  }
0x7a: {  	[tilespmem:v3+s7+$0x0] =	vst.idx.add.f32.msk $0xffff, v2  }
0x7b: {  	v3 =	vld [tilespmem:s16+$0x1D0];
	_ =	sdelay $0x4  }
0x7c: {  	v3 =	vadd.s32 v1, v3;
	_ =	sdelay $0x4  }
0x7d: {  	[tilespmem:v3+s8+$0x0] =	vst.idx.add.f32.msk $0xffff, v2  }
0x7e: {  	v3 =	vld [tilespmem:s16+$0x1E0];
	_ =	sdelay $0x4  }
0x7f: {  	v3 =	vadd.s32 v1, v3;
	_ =	sdelay $0x4  }
0x80: {  	[tilespmem:v3+s7+$0x0] =	vst.idx.add.f32.msk $0xffff, v2  }
0x81: {  	v3 =	vld [tilespmem:s16+$0x1F0];
	_ =	sdelay $0x4  }
0x82: {  	v3 =	vadd.s32 v1, v3;
	_ =	sdelay $0x4  }
0x83: {  	[tilespmem:v3+s8+$0x0] =	vst.idx.add.f32.msk $0xffff, v2  }
0x84: {  	v3 =	vld [tilespmem:s16+$0x280];
	_ =	sdelay $0x4  }
0x85: {  	v3 =	vadd.s32 v1, v3;
	_ =	sdelay $0x4  }
0x86: {  	[tilespmem:v3+s7+$0x0] =	vst.idx.add.f32.msk $0xffff, v2  }
0x87: {  	v3 =	vld [tilespmem:s16+$0x290];
	_ =	sdelay $0x4  }
0x88: {  	v3 =	vadd.s32 v1, v3;
	_ =	sdelay $0x4  }
0x89: {  	[tilespmem:v3+s8+$0x0] =	vst.idx.add.f32.msk $0xffff, v2  }
0x8a: {  	v3 =	vld [tilespmem:s16+$0x2A0];
	_ =	sdelay $0x4  }
0x8b: {  	v3 =	vadd.s32 v1, v3;
	_ =	sdelay $0x4  }
0x8c: {  	[tilespmem:v3+s7+$0x0] =	vst.idx.add.f32.msk $0xffff, v2  }
0x8d: {  	v3 =	vld [tilespmem:s16+$0x2B0];
	_ =	sdelay $0x4  }
0x8e: {  	v3 =	vadd.s32 v1, v3;
	_ =	sdelay $0x4  }
0x8f: {  	[tilespmem:v3+s8+$0x0] =	vst.idx.add.f32.msk $0xffff, v2  }
0x90: {  	v3 =	vld [tilespmem:s16+$0x2C0];
	_ =	sdelay $0x4  }
0x91: {  	v3 =	vadd.s32 v1, v3;
	_ =	sdelay $0x4  }
0x92: {  	[tilespmem:v3+s7+$0x0] =	vst.idx.add.f32.msk $0xffff, v2  }
0x93: {  	v3 =	vld [tilespmem:s16+$0x2D0];
	_ =	sdelay $0x4  }
0x94: {  	v3 =	vadd.s32 v1, v3;
	_ =	sdelay $0x4  }
0x95: {  	[tilespmem:v3+s8+$0x0] =	vst.idx.add.f32.msk $0xffff, v2  }
0x96: {  	v3 =	vld [tilespmem:s16+$0x2E0];
	_ =	sdelay $0x4  }
0x97: {  	v3 =	vadd.s32 v1, v3;
	_ =	sdelay $0x4  }
0x98: {  	[tilespmem:v3+s7+$0x0] =	vst.idx.add.f32.msk $0xffff, v2  }
0x99: {  	v3 =	vld [tilespmem:s16+$0x2F0];
	_ =	sdelay $0x4  }
0x9a: {  	v3 =	vadd.s32 v1, v3;
	_ =	sdelay $0x4  }
0x9b: {  	[tilespmem:v3+s8+$0x0] =	vst.idx.add.f32.msk $0xffff, v2  }
0x9c: {  	v3 =	vld [tilespmem:s16+$0x380];
	_ =	sdelay $0x4  }
0x9d: {  	v3 =	vadd.s32 v1, v3;
	_ =	sdelay $0x4  }
0x9e: {  	[tilespmem:v3+s7+$0x0] =	vst.idx.add.f32.msk $0xffff, v2  }
0x9f: {  	v3 =	vld [tilespmem:s16+$0x390];
	_ =	sdelay $0x4  }
0xa0: {  	v3 =	vadd.s32 v1, v3;
	_ =	sdelay $0x4  }
0xa1: {  	[tilespmem:v3+s8+$0x0] =	vst.idx.add.f32.msk $0xffff, v2  }
0xa2: {  	v3 =	vld [tilespmem:s16+$0x3A0];
	_ =	sdelay $0x4  }
0xa3: {  	v3 =	vadd.s32 v1, v3;
	_ =	sdelay $0x4  }
0xa4: {  	[tilespmem:v3+s7+$0x0] =	vst.idx.add.f32.msk $0xffff, v2  }
0xa5: {  	v3 =	vld [tilespmem:s16+$0x3B0];
	_ =	sdelay $0x4  }
0xa6: {  	v3 =	vadd.s32 v1, v3;
	_ =	sdelay $0x4  }
0xa7: {  	[tilespmem:v3+s8+$0x0] =	vst.idx.add.f32.msk $0xffff, v2  }
0xa8: {  	v3 =	vld [tilespmem:s16+$0x3C0];
	_ =	sdelay $0x4  }
0xa9: {  	v3 =	vadd.s32 v1, v3;
	_ =	sdelay $0x4  }
0xaa: {  	[tilespmem:v3+s7+$0x0] =	vst.idx.add.f32.msk $0xffff, v2  }
0xab: {  	v3 =	vld [tilespmem:s16+$0x3D0];
	_ =	sdelay $0x4  }
0xac: {  	v3 =	vadd.s32 v1, v3;
	_ =	sdelay $0x4  }
0xad: {  	[tilespmem:v3+s8+$0x0] =	vst.idx.add.f32.msk $0xffff, v2  }
0xae: {  	v3 =	vld [tilespmem:s16+$0x3E0];
	_ =	sdelay $0x4  }
0xaf: {  	v3 =	vadd.s32 v1, v3;
	_ =	sdelay $0x4  }
0xb0: {  	[tilespmem:v3+s7+$0x0] =	vst.idx.add.f32.msk $0xffff, v2  }
0xb1: {  	v3 =	vld [tilespmem:s16+$0x3F0];
	_ =	sdelay $0x4  }
0xb2: {  	p0 =	sne.s32 s15, $0x1F000;
	v3 =	vadd.s32 v1, v3  }
.Ltmp1:
0xb3: {  	_ = 	snop;
	(pc) =	sbr.rel @p0 .LBB2_4-.Ltmp1, $2  }
0xb4: {  	_ =	sdelay $0x2  }
0xb5: {  	s15 =	sadd.s32 $0x1000, s15;
	[tilespmem:v3+s8+$0x0] =	vst.idx.add.f32.msk $0xffff, v2  }
0xb6: {  	s15 =	simm.s32 $0x0  }
0xb7: {  	v5 =	vld [tilespmem:s15+$0x15800]  }
0xb8: {  	v6 =	vld [tilespmem:s15+$0x15000]  }
0xb9: {  	v3 =	vld [tilespmem:s15+$0x14800]  }
0xba: {  	v4 =	vld [tilespmem:s15+$0x14000]  }
0xbb: {  	v7 =	vld [tilespmem:s15+$0x17800]  }
0xbc: {  	v8 =	vld [tilespmem:s15+$0x17000]  }
0xbd: {  	v9 =	vld [tilespmem:s15+$0x16800]  }
0xbe: {  	v10 =	vld [tilespmem:s15+$0x16000]  }
0xbf: {  	v11 =	vld [tilespmem:s15+$0xF800]  }
0xc0: {  	v12 =	vld [tilespmem:s15+$0xB000]  }
0xc1: {  	v13 =	vld [tilespmem:s15+$0xF000]  }
0xc2: {  	v14 =	vld [tilespmem:s15+$0x13800]  }
0xc3: {  	v15 =	vld [tilespmem:s15+$0xD800]  }
0xc4: {  	v16 =	vld [tilespmem:s15+$0xB800]  }
0xc5: {  	v17 =	vld [tilespmem:s15+$0xD000]  }
0xc6: {  	v18 =	vld [tilespmem:s15+$0xE800]  }
0xc7: {  	v19 =	vld [tilespmem:s15+$0x13000]  }
0xc8: {  	v20 =	vld [tilespmem:s15+$0x12800]  }
0xc9: {  	v21 =	vld [tilespmem:s15+$0xE000]  }
0xca: {  	v22 =	vld [tilespmem:s15+$0x12000]  }
0xcb: {  	v23 =	vld [tilespmem:s15+$0xA800]  }
0xcc: {  	v24 =	vld [tilespmem:s15+$0x11800]  }
0xcd: {  	v25 =	vld [tilespmem:s15+$0xC800]  }
0xce: {  	v26 =	vld [tilespmem:s15+$0x10800]  }
0xcf: {  	v27 =	vld [tilespmem:s15+$0xA000]  }
0xd0: {  	v28 =	vld [tilespmem:s15+$0x11000]  }
0xd1: {  	v29 =	vld [tilespmem:s15+$0x8800]  }
0xd2: {  	v30 =	vld [tilespmem:s15+$0xC000];
	v7 =	vadd.f32 v7, v8;
	v8 =	vadd.f32 v9, v10  }
0xd3: {  	v9 =	vld [tilespmem:s15+$0x9800];
	v10 =	vadd.f32 v11, v13;
	v11 =	vadd.f32 v18, v21  }
0xd4: {  	v13 =	vld [tilespmem:s15+$0x9000];
	v15 =	vadd.f32 v15, v17;
	v14 =	vadd.f32 v14, v19  }
0xd5: {  	v17 =	vld [tilespmem:s15+$0x8000];
	v18 =	vadd.f32 v20, v22;
	v19 =	vadd.f32 v23, v27  }
0xd6: {  	s16 =	simm.s32 $0x10;
	v20 =	vadd.f32 v3, v4;
	v10 =	vadd.f32 v10, v11;
	v11 =	vld [tilespmem:s15+$0x10000]  }
0xd7: {  	v3 =	vld [tilespmem:s16+$0x15800];
	v21 =	vadd.f32 v24, v28;
	v5 =	vadd.f32 v5, v6  }
0xd8: {  	v22 =	vadd.f32 v25, v30;
	v4 =	vld [tilespmem:s16+$0x15000];
	v6 =	vadd.f32 v16, v12  }
0xd9: {  	v25 =	vld [tilespmem:s16+$0x14800];
	v7 =	vadd.f32 v7, v8;
	v5 =	vadd.f32 v5, v20  }
0xda: {  	v27 =	vld [tilespmem:s16+$0x14000];
	v6 =	vadd.f32 v6, v19;
	v8 =	vadd.f32 v9, v13  }
0xdb: {  	v12 =	vld [tilespmem:s16+$0x17800];
	v9 =	vadd.f32 v29, v17;
	v11 =	vadd.f32 v26, v11  }
0xdc: {  	v16 =	vld [tilespmem:s16+$0x16800];
	v15 =	vadd.f32 v15, v22;
	v13 =	vadd.f32 v14, v18  }
0xdd: {  	v19 =	vld [tilespmem:s16+$0xF800];
	v8 =	vadd.f32 v8, v9;
	v9 =	vadd.f32 v21, v11  }
0xde: {  	v22 =	vld [tilespmem:s16+$0xD000];
	v7 =	vadd.f32 v7, v5;
	v10 =	vadd.f32 v10, v15  }
0xdf: {  	v5 =	vld [tilespmem:s16+$0xB000];
	v6 =	vadd.f32 v6, v8;
	v8 =	vadd.f32 v13, v9  }
0xe0: {  	v14 =	vld [tilespmem:s16+$0x17000]  }
0xe1: {  	v18 =	vld [tilespmem:s16+$0x16000];
	v6 =	vadd.f32 v10, v6;
	v7 =	vadd.f32 v7, v8  }
0xe2: {  	v21 =	vld [tilespmem:s16+$0x13800]  }
0xe3: {  	v13 =	vld [tilespmem:s16+$0xF000];
	v7 =	vadd.f32 v7, v6  }
0xe4: {  	v8 =	vld [tilespmem:s16+$0xD800]  }
0xe5: {  	v6 =	vld [tilespmem:s16+$0xB800];
	[tilespmem:s15+$0x18800] =	vst v7;
	v7 =	vadd.f32 $1.000000000e+00, v7  }
0xe6: {  	v23 =	vld [tilespmem:s16+$0xE800]  }
0xe7: {  	v26 =	vld [tilespmem:s16+$0x13000];
	v9 =	vshrl.u32 v7, $0x1;
	v24 =	vmul.f32 $5.000000000e-01, v7  }
0xe8: {  	v61 =	vld [tilespmem:s16+$0x12800];
	v7 =	vsub.s32 $0x5F3759DF, v9  }
0xe9: {  	v62 =	vld [tilespmem:s16+$0xE000];
	v9 =	vmul.f32 v7, v24  }
0xea: {  	v63 =	vld [tilespmem:s16+$0x12000]  }
0xeb: {  	v31 =	vld [tilespmem:s16+$0xA800];
	v9 =	vmul.f32 v7, v9  }
0xec: {  	v15 =	vld [tilespmem:s16+$0x11800]  }
0xed: {  	v17 =	vld [tilespmem:s16+$0xC800];
	v9 =	vsub.f32 $1.500000000e+00, v9  }
0xee: {  	v10 =	vld [tilespmem:s16+$0x10800]  }
0xef: {  	v32 =	vld [tilespmem:s16+$0xA000];
	v11 =	vmul.f32 v7, v9  }
0xf0: {  	v20 =	vld [tilespmem:s16+$0x11000];
	v8 =	vadd.f32 v8, v22  }
0xf1: {  	v22 =	vld [tilespmem:s16+$0x8000];
	v7 =	vadd.f32 v12, v14;
	v9 =	vadd.f32 v16, v18;
	v12 =	vmul.f32 v11, v24  }
0xf2: {  	v18 =	vadd.f32 v19, v13;
	v19 =	vadd.f32 v23, v62;
	v24 =	vld [tilespmem:s16+$0xC000]  }
0xf3: {  	v25 =	vadd.f32 v25, v27;
	v13 =	vadd.f32 v21, v26;
	v21 =	vld [tilespmem:s16+$0x9800];
	v26 =	vmul.f32 v12, v11  }
0xf4: {  	v14 =	vadd.f32 v61, v63;
	v23 =	vld [tilespmem:s16+$0x9000];
	v12 =	vadd.f32 v18, v19  }
0xf5: {  	s17 =	simm.s32 $0x80;
	v16 =	vld [tilespmem:s16+$0x8800];
	v18 =	vadd.f32 v31, v32;
	v19 =	vsub.f32 $1.500000000e+00, v26  }
.LBB2_6:
0xf6: {  	s18 =	sshra.s32 s17, $0x2;
	p0 =	sne.s32 s17, $0x1FC0;
	s17 =	sadd.s32 $0x40, s17;
	v26 =	vld [tilespmem:s16+$0x10000];
	v15 =	vadd.f32 v15, v20  }
0xf7: {  	v20 =	vadd.f32 v3, v4;
	v17 =	vadd.f32 v17, v24;
	v3 =	vld [tilespmem:s18+$0x15800];
	v11 =	vmul.f32 v19, v11  }
0xf8: {  	v5 =	vadd.f32 v6, v5;
	v6 =	vadd.f32 v7, v9;
	v4 =	vld [tilespmem:s18+$0x15000]  }
0xf9: {  	v9 =	vadd.f32 v20, v25;
	v19 =	vld [tilespmem:s18+$0x14800];
	v7 =	vadd.f32 v21, v23;
	[tilespmem:s15+$0x18000] =	vst v11;
	s15 =	smov.u32 s16;
	s16 =	smov.u32 s18  }
0xfa: {  	v13 =	vadd.f32 v13, v14;
	v25 =	vld [tilespmem:s16+$0x14000];
	v11 =	vadd.f32 v16, v22  }
0xfb: {  	v6 =	vadd.f32 v6, v9;
	v14 =	vld [tilespmem:s16+$0x17800];
	v10 =	vadd.f32 v10, v26  }
0xfc: {  	v5 =	vadd.f32 v5, v18;
	v8 =	vadd.f32 v8, v17;
	v9 =	vld [tilespmem:s16+$0x17000]  }
0xfd: {  	v7 =	vadd.f32 v7, v11;
	v16 =	vld [tilespmem:s16+$0x16800];
	v10 =	vadd.f32 v15, v10  }
0xfe: {  	v8 =	vadd.f32 v12, v8;
	v11 =	vld [tilespmem:s16+$0x16000]  }
0xff: {  	v7 =	vadd.f32 v5, v7;
	v12 =	vld [tilespmem:s16+$0xF800];
	v10 =	vadd.f32 v13, v10  }
0x100: {  	v5 =	vld [tilespmem:s16+$0xB000]  }
0x101: {  	v8 =	vadd.f32 v8, v7;
	v13 =	vld [tilespmem:s16+$0xF000];
	v6 =	vadd.f32 v6, v10  }
0x102: {  	v7 =	vadd.f32 v14, v9;
	v10 =	vld [tilespmem:s16+$0x13800]  }
0x103: {  	v14 =	vld [tilespmem:s16+$0xD800];
	v9 =	vadd.f32 v16, v11;
	v8 =	vadd.f32 v6, v8  }
0x104: {  	v6 =	vld [tilespmem:s16+$0xB800]  }
0x105: {  	v11 =	vld [tilespmem:s16+$0xD000];
	[tilespmem:s15+$0x18800] =	vst v8;
	v8 =	vadd.f32 $1.000000000e+00, v8  }
0x106: {  	v16 =	vld [tilespmem:s16+$0xE800]  }
0x107: {  	v17 =	vld [tilespmem:s16+$0x13000];
	v15 =	vshrl.u32 v8, $0x1;
	v18 =	vmul.f32 $5.000000000e-01, v8  }
0x108: {  	v20 =	vld [tilespmem:s16+$0x12800];
	v21 =	vsub.s32 $0x5F3759DF, v15  }
0x109: {  	v22 =	vld [tilespmem:s16+$0xE000];
	v15 =	vmul.f32 v21, v18  }
0x10a: {  	v23 =	vld [tilespmem:s16+$0x12000];
	v8 =	vadd.f32 v14, v11  }
0x10b: {  	v12 =	vadd.f32 v12, v13;
	v26 =	vld [tilespmem:s16+$0xA800];
	v11 =	vmul.f32 v21, v15  }
0x10c: {  	v15 =	vld [tilespmem:s16+$0x11800];
	v13 =	vadd.f32 v10, v17  }
0x10d: {  	v17 =	vld [tilespmem:s16+$0xC800];
	v11 =	vsub.f32 $1.500000000e+00, v11  }
0x10e: {  	v10 =	vld [tilespmem:s16+$0x10800];
	v16 =	vadd.f32 v16, v22  }
0x10f: {  	v22 =	vld [tilespmem:s16+$0xA000];
	v14 =	vadd.f32 v20, v23;
	v11 =	vmul.f32 v21, v11  }
0x110: {  	v20 =	vld [tilespmem:s16+$0x11000];
	v12 =	vadd.f32 v12, v16  }
.Ltmp2:
0x111: {  	v16 =	vld [tilespmem:s16+$0x8800];
	v18 =	vmul.f32 v11, v18;
	(pc) =	sbr.rel @p0 .LBB2_6-.Ltmp2, $4  }
0x112: {  	v24 =	vld [tilespmem:s16+$0xC000]  }
0x113: {  	v21 =	vld [tilespmem:s16+$0x9800];
	v27 =	vmul.f32 v18, v11  }
0x114: {  	v23 =	vld [tilespmem:s16+$0x9000];
	v18 =	vadd.f32 v26, v22  }
0x115: {  	v25 =	vadd.f32 v19, v25;
	v22 =	vld [tilespmem:s16+$0x8000];
	v19 =	vsub.f32 $1.500000000e+00, v27  }
0x116: {  	v26 =	vld [tilespmem:s16+$0x10000]  }
0x117: {  	v15 =	vadd.f32 v15, v20;
	v3 =	vadd.f32 v3, v4  }
0x118: {  	v53 =	vadd.f32 v6, v5;
	v54 =	vadd.f32 v7, v9  }
0x119: {  	v57 =	vadd.f32 v13, v14;
	v17 =	vadd.f32 v17, v24  }
0x11a: {  	v3 =	vadd.f32 v3, v25;
	v55 =	vadd.f32 v21, v23  }
0x11b: {  	v56 =	vadd.f32 v16, v22;
	v10 =	vadd.f32 v10, v26  }
0x11c: {  	v4 =	vadd.f32 v53, v18;
	v8 =	vadd.f32 v8, v17  }
0x11d: {  	v6 =	vadd.f32 v55, v56;
	v58 =	vadd.f32 v15, v10  }
0x11e: {  	v3 =	vadd.f32 v54, v3;
	v59 =	vadd.f32 v12, v8  }
0x11f: {  	v4 =	vadd.f32 v4, v6;
	v60 =	vadd.f32 v57, v58;
	_ =	sdelay $0x1  }
0x120: {  	v4 =	vadd.f32 v59, v4;
	v3 =	vadd.f32 v3, v60;
	_ =	sdelay $0x1  }
0x121: {  	v3 =	vadd.f32 v3, v4;
	_ =	sdelay $0x1  }
0x122: {  	v4 =	vadd.f32 $1.000000000e+00, v3;
	_ =	sdelay $0x1  }
0x123: {  	v61 =	vshrl.u32 v4, $0x1;
	v4 =	vmul.f32 $5.000000000e-01, v4  }
0x124: {  	v5 =	vsub.s32 $0x5F3759DF, v61  }
0x125: {  	v62 =	vmul.f32 v5, v4;
	_ =	sdelay $0x1  }
0x126: {  	v6 =	vmul.f32 v5, v62;
	_ =	sdelay $0x1  }
0x127: {  	v6 =	vsub.f32 $1.500000000e+00, v6;
	_ =	sdelay $0x1  }
0x128: {  	v5 =	vmul.f32 v5, v6;
	_ =	sdelay $0x1  }
0x129: {  	v4 =	vmul.f32 v5, v4;
	_ =	sdelay $0x1  }
0x12a: {  	v4 =	vmul.f32 v4, v5;
	_ =	sdelay $0x1  }
0x12b: {  	v63 =	vmul.f32 v19, v11;
	v4 =	vsub.f32 $1.500000000e+00, v4;
	_ =	sdelay $0x1  }
0x12c: {  	[tilespmem:s15+$0x18000] =	vst v63;
	v4 =	vmul.f32 v4, v5  }
0x12d: {  	[tilespmem:s16+$0x18800] =	vst v3  }
0x12e: {  	s15 =	simm.s32 $0x0;
	[tilespmem:s16+$0x18000] =	vst v4  }
.LBB2_8:
0x12f: {  	s16 =	sshra.s32 s15, $0x2  }
0x130: {  	v3 =	vld [tilespmem:s16+$0x80];
	_ =	sdelay $0x2  }
0x131: {  	v4 =	vld [tilespmem:s16+$0x0];
	_ =	sdelay $0x4  }
0x132: {  	v4 =	vadd.s32 v1, v4;
	v3 =	vld.idx.msk [tilespmem:v3+s9+$0x0], $0xffff;
	_ =	sdelay $0x4  }
0x133: {  	[tilespmem:v4+s7+$0x0] =	vst.idx.add.f32.msk $0xffff, v3  }
0x134: {  	v3 =	vld [tilespmem:s16+$0x90];
	_ =	sdelay $0x2  }
0x135: {  	v4 =	vld [tilespmem:s16+$0x10];
	_ =	sdelay $0x4  }
0x136: {  	v4 =	vadd.s32 v1, v4;
	v3 =	vld.idx.msk [tilespmem:v3+s9+$0x0], $0xffff;
	_ =	sdelay $0x4  }
0x137: {  	[tilespmem:v4+s8+$0x0] =	vst.idx.add.f32.msk $0xffff, v3  }
0x138: {  	v3 =	vld [tilespmem:s16+$0xA0];
	_ =	sdelay $0x2  }
0x139: {  	v4 =	vld [tilespmem:s16+$0x20];
	_ =	sdelay $0x4  }
0x13a: {  	v4 =	vadd.s32 v1, v4;
	v3 =	vld.idx.msk [tilespmem:v3+s9+$0x0], $0xffff;
	_ =	sdelay $0x4  }
0x13b: {  	[tilespmem:v4+s7+$0x0] =	vst.idx.add.f32.msk $0xffff, v3  }
0x13c: {  	v3 =	vld [tilespmem:s16+$0xB0];
	_ =	sdelay $0x2  }
0x13d: {  	v4 =	vld [tilespmem:s16+$0x30];
	_ =	sdelay $0x4  }
0x13e: {  	v4 =	vadd.s32 v1, v4;
	v3 =	vld.idx.msk [tilespmem:v3+s9+$0x0], $0xffff;
	_ =	sdelay $0x4  }
0x13f: {  	[tilespmem:v4+s8+$0x0] =	vst.idx.add.f32.msk $0xffff, v3  }
0x140: {  	v3 =	vld [tilespmem:s16+$0xC0];
	_ =	sdelay $0x2  }
0x141: {  	v4 =	vld [tilespmem:s16+$0x40];
	_ =	sdelay $0x4  }
0x142: {  	v4 =	vadd.s32 v1, v4;
	v3 =	vld.idx.msk [tilespmem:v3+s9+$0x0], $0xffff;
	_ =	sdelay $0x4  }
0x143: {  	[tilespmem:v4+s7+$0x0] =	vst.idx.add.f32.msk $0xffff, v3  }
0x144: {  	v3 =	vld [tilespmem:s16+$0xD0];
	_ =	sdelay $0x2  }
0x145: {  	v4 =	vld [tilespmem:s16+$0x50];
	_ =	sdelay $0x4  }
0x146: {  	v4 =	vadd.s32 v1, v4;
	v3 =	vld.idx.msk [tilespmem:v3+s9+$0x0], $0xffff;
	_ =	sdelay $0x4  }
0x147: {  	[tilespmem:v4+s8+$0x0] =	vst.idx.add.f32.msk $0xffff, v3  }
0x148: {  	v3 =	vld [tilespmem:s16+$0xE0];
	_ =	sdelay $0x2  }
0x149: {  	v4 =	vld [tilespmem:s16+$0x60];
	_ =	sdelay $0x4  }
0x14a: {  	v4 =	vadd.s32 v1, v4;
	v3 =	vld.idx.msk [tilespmem:v3+s9+$0x0], $0xffff;
	_ =	sdelay $0x4  }
0x14b: {  	[tilespmem:v4+s7+$0x0] =	vst.idx.add.f32.msk $0xffff, v3  }
0x14c: {  	v3 =	vld [tilespmem:s16+$0xF0];
	_ =	sdelay $0x2  }
0x14d: {  	v4 =	vld [tilespmem:s16+$0x70];
	_ =	sdelay $0x4  }
0x14e: {  	v4 =	vadd.s32 v1, v4;
	v3 =	vld.idx.msk [tilespmem:v3+s9+$0x0], $0xffff;
	_ =	sdelay $0x4  }
0x14f: {  	[tilespmem:v4+s8+$0x0] =	vst.idx.add.f32.msk $0xffff, v3  }
0x150: {  	v3 =	vld [tilespmem:s16+$0x180];
	_ =	sdelay $0x2  }
0x151: {  	v4 =	vld [tilespmem:s16+$0x100];
	_ =	sdelay $0x4  }
0x152: {  	v4 =	vadd.s32 v1, v4;
	v3 =	vld.idx.msk [tilespmem:v3+s9+$0x0], $0xffff;
	_ =	sdelay $0x4  }
0x153: {  	[tilespmem:v4+s7+$0x0] =	vst.idx.add.f32.msk $0xffff, v3  }
0x154: {  	v3 =	vld [tilespmem:s16+$0x190];
	_ =	sdelay $0x2  }
0x155: {  	v4 =	vld [tilespmem:s16+$0x110];
	_ =	sdelay $0x4  }
0x156: {  	v4 =	vadd.s32 v1, v4;
	v3 =	vld.idx.msk [tilespmem:v3+s9+$0x0], $0xffff;
	_ =	sdelay $0x4  }
0x157: {  	[tilespmem:v4+s8+$0x0] =	vst.idx.add.f32.msk $0xffff, v3  }
0x158: {  	v3 =	vld [tilespmem:s16+$0x1A0];
	_ =	sdelay $0x2  }
0x159: {  	v4 =	vld [tilespmem:s16+$0x120];
	_ =	sdelay $0x4  }
0x15a: {  	v4 =	vadd.s32 v1, v4;
	v3 =	vld.idx.msk [tilespmem:v3+s9+$0x0], $0xffff;
	_ =	sdelay $0x4  }
0x15b: {  	[tilespmem:v4+s7+$0x0] =	vst.idx.add.f32.msk $0xffff, v3  }
0x15c: {  	v3 =	vld [tilespmem:s16+$0x1B0];
	_ =	sdelay $0x2  }
0x15d: {  	v4 =	vld [tilespmem:s16+$0x130];
	_ =	sdelay $0x4  }
0x15e: {  	v4 =	vadd.s32 v1, v4;
	v3 =	vld.idx.msk [tilespmem:v3+s9+$0x0], $0xffff;
	_ =	sdelay $0x4  }
0x15f: {  	[tilespmem:v4+s8+$0x0] =	vst.idx.add.f32.msk $0xffff, v3  }
0x160: {  	v3 =	vld [tilespmem:s16+$0x1C0];
	_ =	sdelay $0x2  }
0x161: {  	v4 =	vld [tilespmem:s16+$0x140];
	_ =	sdelay $0x4  }
0x162: {  	v4 =	vadd.s32 v1, v4;
	v3 =	vld.idx.msk [tilespmem:v3+s9+$0x0], $0xffff;
	_ =	sdelay $0x4  }
0x163: {  	[tilespmem:v4+s7+$0x0] =	vst.idx.add.f32.msk $0xffff, v3  }
0x164: {  	v3 =	vld [tilespmem:s16+$0x1D0];
	_ =	sdelay $0x2  }
0x165: {  	v4 =	vld [tilespmem:s16+$0x150];
	_ =	sdelay $0x4  }
0x166: {  	v4 =	vadd.s32 v1, v4;
	v3 =	vld.idx.msk [tilespmem:v3+s9+$0x0], $0xffff;
	_ =	sdelay $0x4  }
0x167: {  	[tilespmem:v4+s8+$0x0] =	vst.idx.add.f32.msk $0xffff, v3  }
0x168: {  	v3 =	vld [tilespmem:s16+$0x1E0];
	_ =	sdelay $0x2  }
0x169: {  	v4 =	vld [tilespmem:s16+$0x160];
	_ =	sdelay $0x4  }
0x16a: {  	v4 =	vadd.s32 v1, v4;
	v3 =	vld.idx.msk [tilespmem:v3+s9+$0x0], $0xffff;
	_ =	sdelay $0x4  }
0x16b: {  	[tilespmem:v4+s7+$0x0] =	vst.idx.add.f32.msk $0xffff, v3  }
0x16c: {  	v3 =	vld [tilespmem:s16+$0x1F0];
	_ =	sdelay $0x2  }
0x16d: {  	v4 =	vld [tilespmem:s16+$0x170];
	_ =	sdelay $0x4  }
0x16e: {  	v4 =	vadd.s32 v1, v4;
	v3 =	vld.idx.msk [tilespmem:v3+s9+$0x0], $0xffff;
	_ =	sdelay $0x4  }
0x16f: {  	[tilespmem:v4+s8+$0x0] =	vst.idx.add.f32.msk $0xffff, v3  }
0x170: {  	v3 =	vld [tilespmem:s16+$0x280];
	_ =	sdelay $0x2  }
0x171: {  	v4 =	vld [tilespmem:s16+$0x200];
	_ =	sdelay $0x4  }
0x172: {  	v4 =	vadd.s32 v1, v4;
	v3 =	vld.idx.msk [tilespmem:v3+s9+$0x0], $0xffff;
	_ =	sdelay $0x4  }
0x173: {  	[tilespmem:v4+s7+$0x0] =	vst.idx.add.f32.msk $0xffff, v3  }
0x174: {  	v3 =	vld [tilespmem:s16+$0x290];
	_ =	sdelay $0x2  }
0x175: {  	v4 =	vld [tilespmem:s16+$0x210];
	_ =	sdelay $0x4  }
0x176: {  	v4 =	vadd.s32 v1, v4;
	v3 =	vld.idx.msk [tilespmem:v3+s9+$0x0], $0xffff;
	_ =	sdelay $0x4  }
0x177: {  	[tilespmem:v4+s8+$0x0] =	vst.idx.add.f32.msk $0xffff, v3  }
0x178: {  	v3 =	vld [tilespmem:s16+$0x2A0];
	_ =	sdelay $0x2  }
0x179: {  	v4 =	vld [tilespmem:s16+$0x220];
	_ =	sdelay $0x4  }
0x17a: {  	v4 =	vadd.s32 v1, v4;
	v3 =	vld.idx.msk [tilespmem:v3+s9+$0x0], $0xffff;
	_ =	sdelay $0x4  }
0x17b: {  	[tilespmem:v4+s7+$0x0] =	vst.idx.add.f32.msk $0xffff, v3  }
0x17c: {  	v3 =	vld [tilespmem:s16+$0x2B0];
	_ =	sdelay $0x2  }
0x17d: {  	v4 =	vld [tilespmem:s16+$0x230];
	_ =	sdelay $0x4  }
0x17e: {  	v4 =	vadd.s32 v1, v4;
	v3 =	vld.idx.msk [tilespmem:v3+s9+$0x0], $0xffff;
	_ =	sdelay $0x4  }
0x17f: {  	[tilespmem:v4+s8+$0x0] =	vst.idx.add.f32.msk $0xffff, v3  }
0x180: {  	v3 =	vld [tilespmem:s16+$0x2C0];
	_ =	sdelay $0x2  }
0x181: {  	v4 =	vld [tilespmem:s16+$0x240];
	_ =	sdelay $0x4  }
0x182: {  	v4 =	vadd.s32 v1, v4;
	v3 =	vld.idx.msk [tilespmem:v3+s9+$0x0], $0xffff;
	_ =	sdelay $0x4  }
0x183: {  	[tilespmem:v4+s7+$0x0] =	vst.idx.add.f32.msk $0xffff, v3  }
0x184: {  	v3 =	vld [tilespmem:s16+$0x2D0];
	_ =	sdelay $0x2  }
0x185: {  	v4 =	vld [tilespmem:s16+$0x250];
	_ =	sdelay $0x4  }
0x186: {  	v4 =	vadd.s32 v1, v4;
	v3 =	vld.idx.msk [tilespmem:v3+s9+$0x0], $0xffff;
	_ =	sdelay $0x4  }
0x187: {  	[tilespmem:v4+s8+$0x0] =	vst.idx.add.f32.msk $0xffff, v3  }
0x188: {  	v3 =	vld [tilespmem:s16+$0x2E0];
	_ =	sdelay $0x2  }
0x189: {  	v4 =	vld [tilespmem:s16+$0x260];
	_ =	sdelay $0x4  }
0x18a: {  	v4 =	vadd.s32 v1, v4;
	v3 =	vld.idx.msk [tilespmem:v3+s9+$0x0], $0xffff;
	_ =	sdelay $0x4  }
0x18b: {  	[tilespmem:v4+s7+$0x0] =	vst.idx.add.f32.msk $0xffff, v3  }
0x18c: {  	v3 =	vld [tilespmem:s16+$0x2F0];
	_ =	sdelay $0x2  }
0x18d: {  	v4 =	vld [tilespmem:s16+$0x270];
	_ =	sdelay $0x4  }
0x18e: {  	v4 =	vadd.s32 v1, v4;
	v3 =	vld.idx.msk [tilespmem:v3+s9+$0x0], $0xffff;
	_ =	sdelay $0x4  }
0x18f: {  	[tilespmem:v4+s8+$0x0] =	vst.idx.add.f32.msk $0xffff, v3  }
0x190: {  	v3 =	vld [tilespmem:s16+$0x380];
	_ =	sdelay $0x2  }
0x191: {  	v4 =	vld [tilespmem:s16+$0x300];
	_ =	sdelay $0x4  }
0x192: {  	v4 =	vadd.s32 v1, v4;
	v3 =	vld.idx.msk [tilespmem:v3+s9+$0x0], $0xffff;
	_ =	sdelay $0x4  }
0x193: {  	[tilespmem:v4+s7+$0x0] =	vst.idx.add.f32.msk $0xffff, v3  }
0x194: {  	v3 =	vld [tilespmem:s16+$0x390];
	_ =	sdelay $0x2  }
0x195: {  	v4 =	vld [tilespmem:s16+$0x310];
	_ =	sdelay $0x4  }
0x196: {  	v4 =	vadd.s32 v1, v4;
	v3 =	vld.idx.msk [tilespmem:v3+s9+$0x0], $0xffff;
	_ =	sdelay $0x4  }
0x197: {  	[tilespmem:v4+s8+$0x0] =	vst.idx.add.f32.msk $0xffff, v3  }
0x198: {  	v3 =	vld [tilespmem:s16+$0x3A0];
	_ =	sdelay $0x2  }
0x199: {  	v4 =	vld [tilespmem:s16+$0x320];
	_ =	sdelay $0x4  }
0x19a: {  	v4 =	vadd.s32 v1, v4;
	v3 =	vld.idx.msk [tilespmem:v3+s9+$0x0], $0xffff;
	_ =	sdelay $0x4  }
0x19b: {  	[tilespmem:v4+s7+$0x0] =	vst.idx.add.f32.msk $0xffff, v3  }
0x19c: {  	v3 =	vld [tilespmem:s16+$0x3B0];
	_ =	sdelay $0x2  }
0x19d: {  	v4 =	vld [tilespmem:s16+$0x330];
	_ =	sdelay $0x4  }
0x19e: {  	v4 =	vadd.s32 v1, v4;
	v3 =	vld.idx.msk [tilespmem:v3+s9+$0x0], $0xffff;
	_ =	sdelay $0x4  }
0x19f: {  	[tilespmem:v4+s8+$0x0] =	vst.idx.add.f32.msk $0xffff, v3  }
0x1a0: {  	v3 =	vld [tilespmem:s16+$0x3C0];
	_ =	sdelay $0x2  }
0x1a1: {  	v4 =	vld [tilespmem:s16+$0x340];
	_ =	sdelay $0x4  }
0x1a2: {  	v4 =	vadd.s32 v1, v4;
	v3 =	vld.idx.msk [tilespmem:v3+s9+$0x0], $0xffff;
	_ =	sdelay $0x4  }
0x1a3: {  	[tilespmem:v4+s7+$0x0] =	vst.idx.add.f32.msk $0xffff, v3  }
0x1a4: {  	v3 =	vld [tilespmem:s16+$0x3D0];
	_ =	sdelay $0x2  }
0x1a5: {  	v4 =	vld [tilespmem:s16+$0x350];
	_ =	sdelay $0x4  }
0x1a6: {  	v4 =	vadd.s32 v1, v4;
	v3 =	vld.idx.msk [tilespmem:v3+s9+$0x0], $0xffff;
	_ =	sdelay $0x4  }
0x1a7: {  	[tilespmem:v4+s8+$0x0] =	vst.idx.add.f32.msk $0xffff, v3  }
0x1a8: {  	v3 =	vld [tilespmem:s16+$0x3E0];
	_ =	sdelay $0x2  }
0x1a9: {  	v4 =	vld [tilespmem:s16+$0x360];
	_ =	sdelay $0x4  }
0x1aa: {  	v4 =	vadd.s32 v1, v4;
	v3 =	vld.idx.msk [tilespmem:v3+s9+$0x0], $0xffff;
	_ =	sdelay $0x4  }
0x1ab: {  	[tilespmem:v4+s7+$0x0] =	vst.idx.add.f32.msk $0xffff, v3  }
0x1ac: {  	v3 =	vld [tilespmem:s16+$0x3F0];
	_ =	sdelay $0x2  }
0x1ad: {  	v4 =	vld [tilespmem:s16+$0x370];
	_ =	sdelay $0x4  }
0x1ae: {  	p0 =	sne.s32 s15, $0x1F000;
	v4 =	vadd.s32 v1, v4;
	v3 =	vld.idx.msk [tilespmem:v3+s9+$0x0], $0xffff  }
.Ltmp3:
0x1af: {  	_ = 	snop;
	(pc) =	sbr.rel @p0 .LBB2_8-.Ltmp3, $2  }
0x1b0: {  	_ =	sdelay $0x2  }
0x1b1: {  	s15 =	sadd.s32 $0x1000, s15;
	[tilespmem:v4+s8+$0x0] =	vst.idx.add.f32.msk $0xffff, v3  }
0x1b2: {  	s15 =	simm.s32 $0x0  }
0x1b3: {  	v3 =	vld [tilespmem:s15+$0x8000]  }
0x1b4: {  	v15 =	vld [tilespmem:s15+$0x8800]  }
0x1b5: {  	v18 =	vld [tilespmem:s15+$0x9000]  }
0x1b6: {  	v20 =	vld [tilespmem:s15+$0x9800]  }
0x1b7: {  	v21 =	vld [tilespmem:s15+$0xA000]  }
0x1b8: {  	v23 =	vld [tilespmem:s15+$0xA800]  }
0x1b9: {  	v24 =	vld [tilespmem:s15+$0xB000]  }
0x1ba: {  	v25 =	vld [tilespmem:s15+$0xB800]  }
0x1bb: {  	v26 =	vld [tilespmem:s15+$0xC000]  }
0x1bc: {  	v28 =	vld [tilespmem:s15+$0xC800]  }
0x1bd: {  	v29 =	vld [tilespmem:s15+$0xD000]  }
0x1be: {  	v30 =	vld [tilespmem:s15+$0xD800]  }
0x1bf: {  	v31 =	vld [tilespmem:s15+$0xE000]  }
0x1c0: {  	v32 =	vld [tilespmem:s15+$0xE800]  }
0x1c1: {  	v33 =	vld [tilespmem:s15+$0xF000]  }
0x1c2: {  	v34 =	vld [tilespmem:s15+$0xF800]  }
0x1c3: {  	v4 =	vld [tilespmem:s15+$0x10000]  }
0x1c4: {  	v5 =	vld [tilespmem:s15+$0x10800]  }
0x1c5: {  	v6 =	vld [tilespmem:s15+$0x11000]  }
0x1c6: {  	v8 =	vld [tilespmem:s15+$0x11800]  }
0x1c7: {  	v7 =	vld [tilespmem:s15+$0x12000]  }
0x1c8: {  	v9 =	vld [tilespmem:s15+$0x12800]  }
0x1c9: {  	v10 =	vld [tilespmem:s15+$0x13000]  }
0x1ca: {  	v12 =	vld [tilespmem:s15+$0x13800]  }
0x1cb: {  	v11 =	vld [tilespmem:s15+$0x14000]  }
0x1cc: {  	v13 =	vld [tilespmem:s15+$0x14800]  }
0x1cd: {  	v14 =	vld [tilespmem:s15+$0x15000]  }
0x1ce: {  	p0 =	por $0x1, $0x1;
	v17 =	vld [tilespmem:s15+$0x15800]  }
.Ltmp4:
0x1cf: {  	v16 =	vld [tilespmem:s15+$0x16000];
	(pc) =	sbr.rel @!p0 .LBB2_11-.Ltmp4, $4  }
0x1d0: {  	v19 =	vld [tilespmem:s15+$0x16800];
	v15 =	vadd.f32 v15, v3;
	v18 =	vadd.f32 v20, v18  }
0x1d1: {  	v22 =	vld [tilespmem:s15+$0x17000];
	v20 =	vadd.f32 v23, v21;
	v21 =	vadd.f32 v25, v24  }
0x1d2: {  	v27 =	vld [tilespmem:s15+$0x17800];
	v23 =	vadd.f32 v28, v26;
	v24 =	vadd.f32 v30, v29  }
0x1d3: {  	s16 =	simm.s32 $0x40;
	v25 =	vadd.f32 v32, v31;
	v26 =	vadd.f32 v34, v33;
	v3 =	vld [tilespmem:s15+$0x18000]  }
.LBB2_10:
0x1d4: {  	s17 =	sshra.s32 s16, $0x2;
	p0 =	sne.s32 s16, $0x1FC0;
	v4 =	vadd.f32 v5, v4;
	v5 =	vadd.f32 v8, v6;
	v6 =	vld [tilespmem:s15+$0x18800]  }
0x1d5: {  	v7 =	vadd.f32 v9, v7;
	v8 =	vadd.f32 v12, v10;
	v28 =	vld [tilespmem:s17+$0x8000]  }
0x1d6: {  	v9 =	vadd.f32 v13, v11;
	v10 =	vadd.f32 v17, v14;
	v29 =	vld [tilespmem:s17+$0x8800]  }
0x1d7: {  	v11 =	vadd.f32 v19, v16;
	v30 =	vld [tilespmem:s17+$0x9000];
	v12 =	vadd.f32 v27, v22  }
0x1d8: {  	v13 =	vadd.f32 v18, v15;
	v14 =	vadd.f32 v21, v20;
	v22 =	vld [tilespmem:s17+$0x9800]  }
0x1d9: {  	v15 =	vadd.f32 v24, v23;
	v16 =	vadd.f32 v26, v25;
	v20 =	vld [tilespmem:s17+$0xA000]  }
0x1da: {  	v4 =	vadd.f32 v5, v4;
	v5 =	vadd.f32 v8, v7;
	v21 =	vld [tilespmem:s17+$0xA800]  }
0x1db: {  	v7 =	vadd.f32 v10, v9;
	v8 =	vadd.f32 v12, v11;
	v23 =	vld [tilespmem:s17+$0xB000]  }
0x1dc: {  	v9 =	vadd.f32 v14, v13;
	v10 =	vadd.f32 v16, v15;
	v24 =	vld [tilespmem:s17+$0xB800]  }
0x1dd: {  	v4 =	vadd.f32 v5, v4;
	v5 =	vadd.f32 v8, v7;
	v25 =	vld [tilespmem:s17+$0xC000]  }
0x1de: {  	v26 =	vld [tilespmem:s17+$0xC800]  }
0x1df: {  	v7 =	vadd.f32 v10, v9;
	v4 =	vadd.f32 v5, v4;
	v31 =	vld [tilespmem:s17+$0xD000]  }
0x1e0: {  	v32 =	vld [tilespmem:s17+$0xD800]  }
0x1e1: {  	v4 =	vadd.f32 v4, v7;
	v33 =	vld [tilespmem:s17+$0xE000]  }
0x1e2: {  	v34 =	vld [tilespmem:s17+$0xE800]  }
0x1e3: {  	v5 =	vsub.f32 v4, v6;
	v35 =	vld [tilespmem:s17+$0xF000]  }
0x1e4: {  	v36 =	vld [tilespmem:s17+$0xF800]  }
0x1e5: {  	v7 =	vadd.f32 v5, v3;
	v4 =	vld [tilespmem:s17+$0x10000]  }
0x1e6: {  	v5 =	vld [tilespmem:s17+$0x10800]  }
0x1e7: {  	v3 =	vmul.f32 v7, v3;
	v6 =	vld [tilespmem:s17+$0x11000]  }
0x1e8: {  	v8 =	vld [tilespmem:s17+$0x11800]  }
0x1e9: {  	v7 =	vld [tilespmem:s17+$0x12000];
	[tilespmem:s15+$0x19000] =	vst v3;
	s15 =	smov.u32 s17  }
0x1ea: {  	v9 =	vld [tilespmem:s15+$0x12800]  }
0x1eb: {  	v10 =	vld [tilespmem:s15+$0x13000]  }
0x1ec: {  	v12 =	vld [tilespmem:s15+$0x13800]  }
0x1ed: {  	v11 =	vld [tilespmem:s15+$0x14000]  }
0x1ee: {  	v13 =	vld [tilespmem:s15+$0x14800]  }
0x1ef: {  	v14 =	vld [tilespmem:s15+$0x15000]  }
0x1f0: {  	v17 =	vld [tilespmem:s15+$0x15800]  }
.Ltmp5:
0x1f1: {  	v16 =	vld [tilespmem:s15+$0x16000];
	(pc) =	sbr.rel @p0 .LBB2_10-.Ltmp5, $4  }
0x1f2: {  	v15 =	vadd.f32 v29, v28;
	v18 =	vadd.f32 v22, v30;
	v19 =	vld [tilespmem:s15+$0x16800]  }
0x1f3: {  	v20 =	vadd.f32 v21, v20;
	v21 =	vadd.f32 v24, v23;
	v22 =	vld [tilespmem:s15+$0x17000]  }
0x1f4: {  	v23 =	vadd.f32 v26, v25;
	v24 =	vadd.f32 v32, v31;
	v27 =	vld [tilespmem:s15+$0x17800]  }
0x1f5: {  	s16 =	sadd.s32 $0x40, s16;
	v25 =	vadd.f32 v34, v33;
	v26 =	vadd.f32 v36, v35;
	v3 =	vld [tilespmem:s15+$0x18000]  }
.LBB2_11:
0x1f6: {  	v4 =	vadd.f32 v5, v4;
	v45 =	vadd.f32 v8, v6  }
0x1f7: {  	v46 =	vadd.f32 v9, v7;
	v47 =	vadd.f32 v12, v10  }
0x1f8: {  	v48 =	vadd.f32 v13, v11;
	v49 =	vadd.f32 v17, v14  }
0x1f9: {  	v52 =	vadd.f32 v18, v15;
	v53 =	vadd.f32 v21, v20  }
0x1fa: {  	v54 =	vadd.f32 v24, v23;
	v50 =	vadd.f32 v19, v16  }
0x1fb: {  	v55 =	vadd.f32 v26, v25;
	v51 =	vadd.f32 v27, v22  }
0x1fc: {  	v4 =	vadd.f32 v45, v4;
	v56 =	vadd.f32 v47, v46  }
0x1fd: {  	v57 =	vadd.f32 v49, v48;
	v58 =	vadd.f32 v51, v50  }
0x1fe: {  	v59 =	vadd.f32 v53, v52;
	v60 =	vadd.f32 v55, v54  }
0x1ff: {  	v4 =	vadd.f32 v56, v4;
	v61 =	vadd.f32 v58, v57  }
0x200: {  	v62 =	vld [tilespmem:s15+$0x18800]  }
0x201: {  	v63 =	vadd.f32 v60, v59;
	v4 =	vadd.f32 v61, v4;
	_ =	sdelay $0x1  }
0x202: {  	v4 =	vadd.f32 v4, v63;
	_ =	sdelay $0x1  }
0x203: {  	v4 =	vsub.f32 v4, v62;
	_ =	sdelay $0x1  }
0x204: {  	v4 =	vadd.f32 v4, v3;
	_ =	sdelay $0x1  }
0x205: {  	s14 =	sadd.s32 $0x1, s14;
	v3 =	vmul.f32 v4, v3  }
0x206: {  	p0 =	sne.s32 s14, s5  }
.Ltmp6:
0x207: {  	[tilespmem:s15+$0x19000] =	vst v3;
	(pc) =	sbr.rel @p0 .LBB2_1-.Ltmp6, $4  }
0x208: {  	[hbm4b:s4+s10] =	stream.strided.scatter [tilespmem:s12], [sflag:$0x2], $0x800, s11, s10, $0x38;
	[tilespmem:$0x19800] =	vst v63  }
0x209: {  	_ =	swait.ge [sflag:s13], $0x800  }
0x20a: {  	[sflag:s13] =	ssyncset.done $0x0  }
0x20b: {  	[sflag:s13] =	ssyncadd.s32 $0xFFFFF800  }
0x20c: {  	_ =	sfence.sel $0x180000  }
0x20d: {  	[bflag:$0x0] =	sbarrier.arrive $0xFFFF  }
0x20e: {  	p0 =	sne.s32 s1, $0x0;
	_ =	strace $0x90000047  }
0x20f: {  	s0 =	sadd.s32 @!p0 $0x100000, s0;
	[bflag:$0x2] =	sbarrier.arrive $0xFFFF  }
0x210: {  	[sflag:s0] =	ssyncadd.tile.s32 @!p0 $0x1;
	_ =	shalt  }
.Lfunc_end2:
_tile_overlayer_lowered:
.L_overlay_start_2:
0x211: {  	(tag) =	ssettag $0x2  }
0x212: {  	s0 =	rddreg [dreg:$0x0];
	s2 =	stileid.u32  }
0x213: {  	s1 =	rddreg [dreg:$0x1];
	p0 =	sne.s32 s2, $0x0  }
0x214: {  	s3 =	rddreg [dreg:$0x2];
	[bflag:$0x3] =	sbarrier.arrive $0xFFFF;
	s2 =	simm.s32 @!p0 $0x1C02  }
0x215: {  	[timem:s3], [sflag:s2] =	dma.local @!p0 [hbm:s0], s1  }
0x216: {  	s0 =	simm.s32 @!p0 $0x2  }
0x217: {  	_ =	swait.ge @!p0 [sflag:s0], s1  }
0x218: {  	s1 =	ssub.s32 @!p0 $0x0, s1;
	[sflag:s0] =	ssyncset.done @!p0 $0x0  }
0x219: {  	[sflag:s0] =	ssyncadd.s32 @!p0 s1  }
0x21a: {  	[bflag:$0x3] =	sbarrier.arrive $0xFFFF  }
0x21b: {  	_ =	shalt  }

</sc_bundles>
